<compile_context>
chip_gen: v7x
topology: tpu7x:2x2x1
jax: 0.10.2.dev20260603
libtpu: 0.0.44.dev20260713+nightly
codegen_flags: <defaults>
</compile_context>

<pallas_src>
import functools

import jax
import jax.numpy as jnp
from jax import lax
from jax.experimental import pallas as pl
from jax.experimental.pallas import tpu as pltpu
from jax.experimental.pallas import tpu_sc as plsc

B, T, D = 4096, 200, 64
N = B * T
NUM_WORKERS = 32
ROWS_PER_WORKER = N // NUM_WORKERS
CHUNK = 400
NUM_CHUNKS = ROWS_PER_WORKER // CHUNK
RING = 4
LEAD = 2


def _make_kernel():
  mesh = plsc.VectorSubcoreMesh(core_axis_name="c", subcore_axis_name="s")

  @functools.partial(
      pl.kernel,
      out_type=jax.ShapeDtypeStruct((N, D), jnp.float32),
      mesh=mesh,
      compiler_params=pltpu.CompilerParams(use_tc_tiling_on_sc=False),
      scratch_types=[
          pltpu.VMEM((RING, 3, CHUNK), jnp.int32),
          pltpu.VMEM((RING, CHUNK, D), jnp.float32),
          pltpu.SemaphoreType.DMA((RING,)),
          pltpu.SemaphoreType.DMA((RING,)),
          pltpu.SemaphoreType.DMA((RING,)),
          pltpu.SemaphoreType.DMA((RING,)),
      ],
  )
  def enc(i1_hbm, i2_hbm, i3_hbm, t1_hbm, t2_hbm, t3_hbm, out_hbm,
          idx, acc, semi, semg1, semga, semo):
    cid = lax.axis_index("c")
    sid = lax.axis_index("s")
    wid = sid * 2 + cid
    base_w = wid * ROWS_PER_WORKER

    def issue_idx(chunk_i, slot):
      base = base_w + chunk_i * CHUNK
      for f, ih in enumerate((i1_hbm, i2_hbm, i3_hbm)):
        pltpu.async_copy(ih.at[pl.ds(base, CHUNK)], idx.at[slot, f], semi.at[slot])

    def wait_idx(chunk_i, slot):
      base = base_w + chunk_i * CHUNK
      for f, ih in enumerate((i1_hbm, i2_hbm, i3_hbm)):
        pltpu.make_async_copy(ih.at[pl.ds(base, CHUNK)], idx.at[slot, f], semi.at[slot]).wait()

    def issue_write(chunk_i, slot):
      base = base_w + chunk_i * CHUNK
      pltpu.async_copy(acc.at[slot], out_hbm.at[pl.ds(base, CHUNK)], semo.at[slot])

    def wait_write(chunk_i, slot):
      base = base_w + chunk_i * CHUNK
      pltpu.make_async_copy(acc.at[slot], out_hbm.at[pl.ds(base, CHUNK)], semo.at[slot]).wait()

    def wait_adds(slot):
      pltpu.make_async_copy(
          t2_hbm.at[idx.at[slot, 1]], acc.at[slot], semga.at[slot]).wait()
      pltpu.make_async_copy(
          t3_hbm.at[idx.at[slot, 2]], acc.at[slot], semga.at[slot]).wait()

    for k in range(LEAD):
      issue_idx(k, k % RING)

    def body(i, carry):
      s = lax.rem(i, RING)

      @pl.when(i + LEAD < NUM_CHUNKS)
      def _():
        issue_idx(i + LEAD, lax.rem(i + LEAD, RING))

      wait_idx(i, s)
      @pl.when(i >= RING)
      def _():
        wait_write(i - RING, s)

      cp1 = pltpu.async_copy(t1_hbm.at[idx.at[s, 0]], acc.at[s], semg1.at[s])

      @pl.when(i >= 1)
      def _():
        sp = lax.rem(i - 1 + RING, RING)
        wait_adds(sp)
        issue_write(i - 1, sp)

      cp1.wait()
      pltpu.async_copy(t2_hbm.at[idx.at[s, 1]], acc.at[s], semga.at[s], add=True)
      pltpu.async_copy(t3_hbm.at[idx.at[s, 2]], acc.at[s], semga.at[s], add=True)
      return carry

    lax.fori_loop(0, NUM_CHUNKS, body, 0)

    s_last = (NUM_CHUNKS - 1) % RING
    wait_adds(s_last)
    issue_write(NUM_CHUNKS - 1, s_last)
    for k in range(NUM_CHUNKS - RING, NUM_CHUNKS):
      wait_write(k, k % RING)

  return enc


_enc = _make_kernel()


@jax.jit
def _run(mcc_code, tr_type, country, emb_mcc, emb_tr, emb_cty):
  i1 = mcc_code.reshape(-1).astype(jnp.int32)
  i2 = tr_type.reshape(-1).astype(jnp.int32)
  i3 = country.reshape(-1).astype(jnp.int32)
  t1 = emb_mcc.at[0].set(0.0)
  t2 = emb_tr.at[0].set(0.0)
  t3 = emb_cty.at[0].set(0.0)
  out = _enc(i1, i2, i3, t1, t2, t3)
  return out.reshape(B, T, D)


def kernel(mcc_code, tr_type, country, seq_lens, emb_mcc, emb_tr, emb_cty):
  del seq_lens
  return _run(mcc_code, tr_type, country, emb_mcc, emb_tr, emb_cty)

# --- scband reference (transcript-rebuilt; emitter-appended) ---
"""Pipeline reference for scband-block-trx-encoder-26396869001522 (READ-ONLY COPY).

The authoritative reference and input builder live on the scoring server;
editing this copy changes nothing except your own understanding.
"""

import jax, jax.numpy as jnp
import numpy as np

B, T, D = 4096, 200, 64
V_MCC, V_TR, V_CTY = 100000, 1000, 1000


def setup_inputs(seed: int = 0) -> dict:
    key = jax.random.key(seed)
    k1, k2, k3, k4, k5, k6, k7 = jax.random.split(key, 7)
    mcc_code = jax.random.randint(k1, (B, T), 0, V_MCC)
    tr_type = jax.random.randint(k2, (B, T), 0, V_TR)
    country = jax.random.randint(k3, (B, T), 0, V_CTY)
    seq_lens = jax.random.randint(k4, (B,), 1, T)
    emb_mcc = jax.random.normal(k5, (V_MCC, D), dtype=jnp.float32)
    emb_tr = jax.random.normal(k6, (V_TR, D), dtype=jnp.float32)
    emb_cty = jax.random.normal(k7, (V_CTY, D), dtype=jnp.float32)
    return {
        "mcc_code": mcc_code,
        "tr_type": tr_type,
        "country": country,
        "seq_lens": seq_lens,
        "emb_mcc": emb_mcc,
        "emb_tr": emb_tr,
        "emb_cty": emb_cty,
    }


def _lookup(idx, table):
    # _smart_clip with clip_replace_value='max': clip(0, num_embeddings - 1)
    n = table.shape[0]
    idx = jnp.clip(idx, 0, n - 1)
    # padding_idx=0 semantics: row 0 acts as a zero vector
    t = table.at[0].set(0.0)
    return jnp.take(t, idx, axis=0)


def reference(mcc_code, tr_type, country, seq_lens, emb_mcc, emb_tr, emb_cty):
    # torch.stack(processed, 2).sum(dim=2) == elementwise sum of per-field embeddings
    out = _lookup(mcc_code, emb_mcc) + _lookup(tr_type, emb_tr) + _lookup(country, emb_cty)
    # PaddedBatch wrapper just carries seq_lens alongside; payload is `out`
    return out

if __name__ == "__main__":
    import jax
    _d = setup_inputs()
    print(jax.jit(kernel)(*tuple(_d.values())))

</pallas_src>

<mosaic_0001>
#map = affine_map<(d0, d1) -> (0)>
#map1 = affine_map<(d0, d1) -> (0, 0)>
module attributes {stable_mosaic.version = 14 : i64} {
  func.func @enc(%arg0: i32, %arg1: i32, %arg2: memref<819200xi32, #tpu.memory_space<hbm>>, %arg3: memref<819200xi32, #tpu.memory_space<hbm>>, %arg4: memref<819200xi32, #tpu.memory_space<hbm>>, %arg5: memref<100000x64xf32, #tpu.memory_space<hbm>>, %arg6: memref<1000x64xf32, #tpu.memory_space<hbm>>, %arg7: memref<1000x64xf32, #tpu.memory_space<hbm>>, %arg8: memref<819200x64xf32, #tpu.memory_space<hbm>>, %arg9: memref<4x3x400xi32, #tpu.memory_space<vmem>>, %arg10: memref<4x400x64xf32, #tpu.memory_space<vmem>>, %arg11: memref<4x!tpu.dma_semaphore, #tpu.memory_space<semaphore_mem>>, %arg12: memref<4x!tpu.dma_semaphore, #tpu.memory_space<semaphore_mem>>, %arg13: memref<4x!tpu.dma_semaphore, #tpu.memory_space<semaphore_mem>>, %arg14: memref<4x!tpu.dma_semaphore, #tpu.memory_space<semaphore_mem>>) attributes {dimension_semantics = [#tpu.dimension_semantics<core_parallel>, #tpu.dimension_semantics<subcore_parallel>], iteration_bounds = array<i64: 2, 16>, scalar_prefetch = 0 : i64, scratch_operands = 6 : i64, tpu.core_type = #tpu.core_type<sc_vector_subcore>, window_params = [{transform_indices = #map}, {transform_indices = #map}, {transform_indices = #map}, {transform_indices = #map1}, {transform_indices = #map1}, {transform_indices = #map1}, {transform_indices = #map1}]} {
    %mul3A = arith.constant 2 : i32
    %mul3A_0 = arith.muli %arg1, %mul3A : i32
    %add3A = arith.addi %mul3A_0, %arg0 : i32
    %mul3A_1 = arith.constant 25600 : i32
    %mul3A_2 = arith.muli %add3A, %mul3A_1 : i32
    %add3A_3 = arith.constant 0 : i32
    %add3A_4 = arith.addi %mul3A_2, %add3A_3 : i32
    %dma_start3A = arith.constant 0 : i32
    %dma_start3A_5 = arith.constant 0 : i32
    %dma_start3A_6 = arith.constant 0 : i32
    %dma_start3A_7 = arith.constant 0 : i32
    %dma_start3A_8 = tpu.memref_slice %arg9[%dma_start3A, %dma_start3A_5, %dma_start3A_7] : memref<4x3x400xi32, #tpu.memory_space<vmem>> -> memref<1x1x400xi32, #tpu.memory_space<vmem>>
    %dma_start3A_9 = tpu.memref_squeeze %dma_start3A_8 : memref<1x1x400xi32, #tpu.memory_space<vmem>> -> memref<400xi32, #tpu.memory_space<vmem>>
    %dma_start3A_10 = tpu.memref_slice %arg2[%add3A_4] : memref<819200xi32, #tpu.memory_space<hbm>> -> memref<400xi32, #tpu.memory_space<hbm>>
    %dma_start3A_11 = tpu.memref_slice %arg11[%dma_start3A_6] : memref<4x!tpu.dma_semaphore, #tpu.memory_space<semaphore_mem>> -> memref<1x!tpu.dma_semaphore, #tpu.memory_space<semaphore_mem>>
    %dma_start3A_12 = tpu.memref_squeeze %dma_start3A_11 : memref<1x!tpu.dma_semaphore, #tpu.memory_space<semaphore_mem>> -> memref<!tpu.dma_semaphore, #tpu.memory_space<semaphore_mem>>
    %dma_start3A_13 = arith.constant 0 : i32
    %dma_start3A_14 = tpu.memref_slice %arg9[%dma_start3A, %dma_start3A_5, %dma_start3A_13] : memref<4x3x400xi32, #tpu.memory_space<vmem>> -> memref<1x1x400xi32, #tpu.memory_space<vmem>>
    %dma_start3A_15 = tpu.memref_squeeze %dma_start3A_14 : memref<1x1x400xi32, #tpu.memory_space<vmem>> -> memref<400xi32, #tpu.memory_space<vmem>>
    %dma_start3A_16 = tpu.memref_slice %arg2[%add3A_4] : memref<819200xi32, #tpu.memory_space<hbm>> -> memref<400xi32, #tpu.memory_space<hbm>>
    tpu.enqueue_dma source(%dma_start3A_16 : memref<400xi32, #tpu.memory_space<hbm>>) target(%dma_start3A_15 : memref<400xi32, #tpu.memory_space<vmem>>) target_semaphore(%dma_start3A_12 : memref<!tpu.dma_semaphore, #tpu.memory_space<semaphore_mem>>)
    %dma_start3A_17 = arith.constant 0 : i32
    %dma_start3A_18 = arith.constant 1 : i32
    %dma_start3A_19 = arith.constant 0 : i32
    %dma_start3A_20 = arith.constant 0 : i32
    %dma_start3A_21 = tpu.memref_slice %arg9[%dma_start3A_17, %dma_start3A_18, %dma_start3A_20] : memref<4x3x400xi32, #tpu.memory_space<vmem>> -> memref<1x1x400xi32, #tpu.memory_space<vmem>>
    %dma_start3A_22 = tpu.memref_squeeze %dma_start3A_21 : memref<1x1x400xi32, #tpu.memory_space<vmem>> -> memref<400xi32, #tpu.memory_space<vmem>>
    %dma_start3A_23 = tpu.memref_slice %arg3[%add3A_4] : memref<819200xi32, #tpu.memory_space<hbm>> -> memref<400xi32, #tpu.memory_space<hbm>>
    %dma_start3A_24 = tpu.memref_slice %arg11[%dma_start3A_19] : memref<4x!tpu.dma_semaphore, #tpu.memory_space<semaphore_mem>> -> memref<1x!tpu.dma_semaphore, #tpu.memory_space<semaphore_mem>>
    %dma_start3A_25 = tpu.memref_squeeze %dma_start3A_24 : memref<1x!tpu.dma_semaphore, #tpu.memory_space<semaphore_mem>> -> memref<!tpu.dma_semaphore, #tpu.memory_space<semaphore_mem>>
    %dma_start3A_26 = arith.constant 0 : i32
    %dma_start3A_27 = tpu.memref_slice %arg9[%dma_start3A_17, %dma_start3A_18, %dma_start3A_26] : memref<4x3x400xi32, #tpu.memory_space<vmem>> -> memref<1x1x400xi32, #tpu.memory_space<vmem>>
    %dma_start3A_28 = tpu.memref_squeeze %dma_start3A_27 : memref<1x1x400xi32, #tpu.memory_space<vmem>> -> memref<400xi32, #tpu.memory_space<vmem>>
    %dma_start3A_29 = tpu.memref_slice %arg3[%add3A_4] : memref<819200xi32, #tpu.memory_space<hbm>> -> memref<400xi32, #tpu.memory_space<hbm>>
    tpu.enqueue_dma source(%dma_start3A_29 : memref<400xi32, #tpu.memory_space<hbm>>) target(%dma_start3A_28 : memref<400xi32, #tpu.memory_space<vmem>>) target_semaphore(%dma_start3A_25 : memref<!tpu.dma_semaphore, #tpu.memory_space<semaphore_mem>>)
    %dma_start3A_30 = arith.constant 0 : i32
    %dma_start3A_31 = arith.constant 2 : i32
    %dma_start3A_32 = arith.constant 0 : i32
    %dma_start3A_33 = arith.constant 0 : i32
    %dma_start3A_34 = tpu.memref_slice %arg9[%dma_start3A_30, %dma_start3A_31, %dma_start3A_33] : memref<4x3x400xi32, #tpu.memory_space<vmem>> -> memref<1x1x400xi32, #tpu.memory_space<vmem>>
    %dma_start3A_35 = tpu.memref_squeeze %dma_start3A_34 : memref<1x1x400xi32, #tpu.memory_space<vmem>> -> memref<400xi32, #tpu.memory_space<vmem>>
    %dma_start3A_36 = tpu.memref_slice %arg4[%add3A_4] : memref<819200xi32, #tpu.memory_space<hbm>> -> memref<400xi32, #tpu.memory_space<hbm>>
    %dma_start3A_37 = tpu.memref_slice %arg11[%dma_start3A_32] : memref<4x!tpu.dma_semaphore, #tpu.memory_space<semaphore_mem>> -> memref<1x!tpu.dma_semaphore, #tpu.memory_space<semaphore_mem>>
    %dma_start3A_38 = tpu.memref_squeeze %dma_start3A_37 : memref<1x!tpu.dma_semaphore, #tpu.memory_space<semaphore_mem>> -> memref<!tpu.dma_semaphore, #tpu.memory_space<semaphore_mem>>
    %dma_start3A_39 = arith.constant 0 : i32
    %dma_start3A_40 = tpu.memref_slice %arg9[%dma_start3A_30, %dma_start3A_31, %dma_start3A_39] : memref<4x3x400xi32, #tpu.memory_space<vmem>> -> memref<1x1x400xi32, #tpu.memory_space<vmem>>
    %dma_start3A_41 = tpu.memref_squeeze %dma_start3A_40 : memref<1x1x400xi32, #tpu.memory_space<vmem>> -> memref<400xi32, #tpu.memory_space<vmem>>
    %dma_start3A_42 = tpu.memref_slice %arg4[%add3A_4] : memref<819200xi32, #tpu.memory_space<hbm>> -> memref<400xi32, #tpu.memory_space<hbm>>
    tpu.enqueue_dma source(%dma_start3A_42 : memref<400xi32, #tpu.memory_space<hbm>>) target(%dma_start3A_41 : memref<400xi32, #tpu.memory_space<vmem>>) target_semaphore(%dma_start3A_38 : memref<!tpu.dma_semaphore, #tpu.memory_space<semaphore_mem>>)
    %add3A_43 = arith.constant 400 : i32
    %add3A_44 = arith.addi %mul3A_2, %add3A_43 : i32
    %dma_start3A_45 = arith.constant 1 : i32
    %dma_start3A_46 = arith.constant 0 : i32
    %dma_start3A_47 = arith.constant 1 : i32
    %dma_start3A_48 = arith.constant 0 : i32
    %dma_start3A_49 = tpu.memref_slice %arg9[%dma_start3A_45, %dma_start3A_46, %dma_start3A_48] : memref<4x3x400xi32, #tpu.memory_space<vmem>> -> memref<1x1x400xi32, #tpu.memory_space<vmem>>
    %dma_start3A_50 = tpu.memref_squeeze %dma_start3A_49 : memref<1x1x400xi32, #tpu.memory_space<vmem>> -> memref<400xi32, #tpu.memory_space<vmem>>
    %dma_start3A_51 = tpu.memref_slice %arg2[%add3A_44] : memref<819200xi32, #tpu.memory_space<hbm>> -> memref<400xi32, #tpu.memory_space<hbm>>
    %dma_start3A_52 = tpu.memref_slice %arg11[%dma_start3A_47] : memref<4x!tpu.dma_semaphore, #tpu.memory_space<semaphore_mem>> -> memref<1x!tpu.dma_semaphore, #tpu.memory_space<semaphore_mem>>
    %dma_start3A_53 = tpu.memref_squeeze %dma_start3A_52 : memref<1x!tpu.dma_semaphore, #tpu.memory_space<semaphore_mem>> -> memref<!tpu.dma_semaphore, #tpu.memory_space<semaphore_mem>>
    %dma_start3A_54 = arith.constant 0 : i32
    %dma_start3A_55 = tpu.memref_slice %arg9[%dma_start3A_45, %dma_start3A_46, %dma_start3A_54] : memref<4x3x400xi32, #tpu.memory_space<vmem>> -> memref<1x1x400xi32, #tpu.memory_space<vmem>>
    %dma_start3A_56 = tpu.memref_squeeze %dma_start3A_55 : memref<1x1x400xi32, #tpu.memory_space<vmem>> -> memref<400xi32, #tpu.memory_space<vmem>>
    %dma_start3A_57 = tpu.memref_slice %arg2[%add3A_44] : memref<819200xi32, #tpu.memory_space<hbm>> -> memref<400xi32, #tpu.memory_space<hbm>>
    tpu.enqueue_dma source(%dma_start3A_57 : memref<400xi32, #tpu.memory_space<hbm>>) target(%dma_start3A_56 : memref<400xi32, #tpu.memory_space<vmem>>) target_semaphore(%dma_start3A_53 : memref<!tpu.dma_semaphore, #tpu.memory_space<semaphore_mem>>)
    %dma_start3A_58 = arith.constant 1 : i32
    %dma_start3A_59 = arith.constant 1 : i32
    %dma_start3A_60 = arith.constant 1 : i32
    %dma_start3A_61 = arith.constant 0 : i32
    %dma_start3A_62 = tpu.memref_slice %arg9[%dma_start3A_58, %dma_start3A_59, %dma_start3A_61] : memref<4x3x400xi32, #tpu.memory_space<vmem>> -> memref<1x1x400xi32, #tpu.memory_space<vmem>>
    %dma_start3A_63 = tpu.memref_squeeze %dma_start3A_62 : memref<1x1x400xi32, #tpu.memory_space<vmem>> -> memref<400xi32, #tpu.memory_space<vmem>>
    %dma_start3A_64 = tpu.memref_slice %arg3[%add3A_44] : memref<819200xi32, #tpu.memory_space<hbm>> -> memref<400xi32, #tpu.memory_space<hbm>>
    %dma_start3A_65 = tpu.memref_slice %arg11[%dma_start3A_60] : memref<4x!tpu.dma_semaphore, #tpu.memory_space<semaphore_mem>> -> memref<1x!tpu.dma_semaphore, #tpu.memory_space<semaphore_mem>>
    %dma_start3A_66 = tpu.memref_squeeze %dma_start3A_65 : memref<1x!tpu.dma_semaphore, #tpu.memory_space<semaphore_mem>> -> memref<!tpu.dma_semaphore, #tpu.memory_space<semaphore_mem>>
    %dma_start3A_67 = arith.constant 0 : i32
    %dma_start3A_68 = tpu.memref_slice %arg9[%dma_start3A_58, %dma_start3A_59, %dma_start3A_67] : memref<4x3x400xi32, #tpu.memory_space<vmem>> -> memref<1x1x400xi32, #tpu.memory_space<vmem>>
    %dma_start3A_69 = tpu.memref_squeeze %dma_start3A_68 : memref<1x1x400xi32, #tpu.memory_space<vmem>> -> memref<400xi32, #tpu.memory_space<vmem>>
    %dma_start3A_70 = tpu.memref_slice %arg3[%add3A_44] : memref<819200xi32, #tpu.memory_space<hbm>> -> memref<400xi32, #tpu.memory_space<hbm>>
    tpu.enqueue_dma source(%dma_start3A_70 : memref<400xi32, #tpu.memory_space<hbm>>) target(%dma_start3A_69 : memref<400xi32, #tpu.memory_space<vmem>>) target_semaphore(%dma_start3A_66 : memref<!tpu.dma_semaphore, #tpu.memory_space<semaphore_mem>>)
    %dma_start3A_71 = arith.constant 1 : i32
    %dma_start3A_72 = arith.constant 2 : i32
    %dma_start3A_73 = arith.constant 1 : i32
    %dma_start3A_74 = arith.constant 0 : i32
    %dma_start3A_75 = tpu.memref_slice %arg9[%dma_start3A_71, %dma_start3A_72, %dma_start3A_74] : memref<4x3x400xi32, #tpu.memory_space<vmem>> -> memref<1x1x400xi32, #tpu.memory_space<vmem>>
    %dma_start3A_76 = tpu.memref_squeeze %dma_start3A_75 : memref<1x1x400xi32, #tpu.memory_space<vmem>> -> memref<400xi32, #tpu.memory_space<vmem>>
    %dma_start3A_77 = tpu.memref_slice %arg4[%add3A_44] : memref<819200xi32, #tpu.memory_space<hbm>> -> memref<400xi32, #tpu.memory_space<hbm>>
    %dma_start3A_78 = tpu.memref_slice %arg11[%dma_start3A_73] : memref<4x!tpu.dma_semaphore, #tpu.memory_space<semaphore_mem>> -> memref<1x!tpu.dma_semaphore, #tpu.memory_space<semaphore_mem>>
    %dma_start3A_79 = tpu.memref_squeeze %dma_start3A_78 : memref<1x!tpu.dma_semaphore, #tpu.memory_space<semaphore_mem>> -> memref<!tpu.dma_semaphore, #tpu.memory_space<semaphore_mem>>
    %dma_start3A_80 = arith.constant 0 : i32
    %dma_start3A_81 = tpu.memref_slice %arg9[%dma_start3A_71, %dma_start3A_72, %dma_start3A_80] : memref<4x3x400xi32, #tpu.memory_space<vmem>> -> memref<1x1x400xi32, #tpu.memory_space<vmem>>
    %dma_start3A_82 = tpu.memref_squeeze %dma_start3A_81 : memref<1x1x400xi32, #tpu.memory_space<vmem>> -> memref<400xi32, #tpu.memory_space<vmem>>
    %dma_start3A_83 = tpu.memref_slice %arg4[%add3A_44] : memref<819200xi32, #tpu.memory_space<hbm>> -> memref<400xi32, #tpu.memory_space<hbm>>
    tpu.enqueue_dma source(%dma_start3A_83 : memref<400xi32, #tpu.memory_space<hbm>>) target(%dma_start3A_82 : memref<400xi32, #tpu.memory_space<vmem>>) target_semaphore(%dma_start3A_79 : memref<!tpu.dma_semaphore, #tpu.memory_space<semaphore_mem>>)
    %scan3A = arith.constant 0 : i32
    %scan3A_84 = arith.constant 0 : i32
    %scan3A_85 = arith.constant 64 : i32
    %scan3A_86 = arith.addi %scan3A_84, %scan3A_85 : i32
    %scan3A_87 = arith.constant 1 : i32
    scf.for %scan3A_210 = %scan3A_84 to %scan3A_86 step %scan3A_87  : i32 {
      %rem3A = arith.constant 4 : i32
      %rem3A_211 = arith.remsi %scan3A_210, %rem3A : i32
      %add3A_212 = arith.constant 2 : i32
      %add3A_213 = arith.addi %scan3A_210, %add3A_212 : i32
      %lt3A = arith.constant 64 : i32
      %lt3A_214 = arith.cmpi slt, %add3A_213, %lt3A : i32
      %convert_element_type3A = arith.extui %lt3A_214 : i1 to i32
      %cond3A = arith.constant 0 : i32
      %cond3A_215 = arith.cmpi ne, %convert_element_type3A, %cond3A : i32
      scf.if %cond3A_215 {
        %add3A_313 = arith.constant 2 : i32
        %add3A_314 = arith.addi %scan3A_210, %add3A_313 : i32
        %add3A_315 = arith.constant 2 : i32
        %add3A_316 = arith.addi %scan3A_210, %add3A_315 : i32
        %rem3A_317 = arith.constant 4 : i32
        %rem3A_318 = arith.remsi %add3A_316, %rem3A_317 : i32
        %mul3A_319 = arith.constant 400 : i32
        %mul3A_320 = arith.muli %add3A_314, %mul3A_319 : i32
        %add3A_321 = arith.addi %mul3A_2, %mul3A_320 : i32
        %dma_start3A_322 = arith.constant 0 : i32
        %dma_start3A_323 = arith.constant 0 : i32
        %dma_start3A_324 = tpu.memref_slice %arg9[%rem3A_318, %dma_start3A_322, %dma_start3A_323] : memref<4x3x400xi32, #tpu.memory_space<vmem>> -> memref<1x1x400xi32, #tpu.memory_space<vmem>>
        %dma_start3A_325 = tpu.memref_squeeze %dma_start3A_324 : memref<1x1x400xi32, #tpu.memory_space<vmem>> -> memref<400xi32, #tpu.memory_space<vmem>>
        %dma_start3A_326 = tpu.memref_slice %arg2[%add3A_321] : memref<819200xi32, #tpu.memory_space<hbm>> -> memref<400xi32, #tpu.memory_space<hbm>>
        %dma_start3A_327 = tpu.memref_slice %arg11[%rem3A_318] : memref<4x!tpu.dma_semaphore, #tpu.memory_space<semaphore_mem>> -> memref<1x!tpu.dma_semaphore, #tpu.memory_space<semaphore_mem>>
        %dma_start3A_328 = tpu.memref_squeeze %dma_start3A_327 : memref<1x!tpu.dma_semaphore, #tpu.memory_space<semaphore_mem>> -> memref<!tpu.dma_semaphore, #tpu.memory_space<semaphore_mem>>
        %dma_start3A_329 = arith.constant 0 : i32
        %dma_start3A_330 = tpu.memref_slice %arg9[%rem3A_318, %dma_start3A_322, %dma_start3A_329] : memref<4x3x400xi32, #tpu.memory_space<vmem>> -> memref<1x1x400xi32, #tpu.memory_space<vmem>>
        %dma_start3A_331 = tpu.memref_squeeze %dma_start3A_330 : memref<1x1x400xi32, #tpu.memory_space<vmem>> -> memref<400xi32, #tpu.memory_space<vmem>>
        %dma_start3A_332 = tpu.memref_slice %arg2[%add3A_321] : memref<819200xi32, #tpu.memory_space<hbm>> -> memref<400xi32, #tpu.memory_space<hbm>>
        tpu.enqueue_dma source(%dma_start3A_332 : memref<400xi32, #tpu.memory_space<hbm>>) target(%dma_start3A_331 : memref<400xi32, #tpu.memory_space<vmem>>) target_semaphore(%dma_start3A_328 : memref<!tpu.dma_semaphore, #tpu.memory_space<semaphore_mem>>)
        %dma_start3A_333 = arith.constant 1 : i32
        %dma_start3A_334 = arith.constant 0 : i32
        %dma_start3A_335 = tpu.memref_slice %arg9[%rem3A_318, %dma_start3A_333, %dma_start3A_334] : memref<4x3x400xi32, #tpu.memory_space<vmem>> -> memref<1x1x400xi32, #tpu.memory_space<vmem>>
        %dma_start3A_336 = tpu.memref_squeeze %dma_start3A_335 : memref<1x1x400xi32, #tpu.memory_space<vmem>> -> memref<400xi32, #tpu.memory_space<vmem>>
        %dma_start3A_337 = tpu.memref_slice %arg3[%add3A_321] : memref<819200xi32, #tpu.memory_space<hbm>> -> memref<400xi32, #tpu.memory_space<hbm>>
        %dma_start3A_338 = tpu.memref_slice %arg11[%rem3A_318] : memref<4x!tpu.dma_semaphore, #tpu.memory_space<semaphore_mem>> -> memref<1x!tpu.dma_semaphore, #tpu.memory_space<semaphore_mem>>
        %dma_start3A_339 = tpu.memref_squeeze %dma_start3A_338 : memref<1x!tpu.dma_semaphore, #tpu.memory_space<semaphore_mem>> -> memref<!tpu.dma_semaphore, #tpu.memory_space<semaphore_mem>>
        %dma_start3A_340 = arith.constant 0 : i32
        %dma_start3A_341 = tpu.memref_slice %arg9[%rem3A_318, %dma_start3A_333, %dma_start3A_340] : memref<4x3x400xi32, #tpu.memory_space<vmem>> -> memref<1x1x400xi32, #tpu.memory_space<vmem>>
        %dma_start3A_342 = tpu.memref_squeeze %dma_start3A_341 : memref<1x1x400xi32, #tpu.memory_space<vmem>> -> memref<400xi32, #tpu.memory_space<vmem>>
        %dma_start3A_343 = tpu.memref_slice %arg3[%add3A_321] : memref<819200xi32, #tpu.memory_space<hbm>> -> memref<400xi32, #tpu.memory_space<hbm>>
        tpu.enqueue_dma source(%dma_start3A_343 : memref<400xi32, #tpu.memory_space<hbm>>) target(%dma_start3A_342 : memref<400xi32, #tpu.memory_space<vmem>>) target_semaphore(%dma_start3A_339 : memref<!tpu.dma_semaphore, #tpu.memory_space<semaphore_mem>>)
        %dma_start3A_344 = arith.constant 2 : i32
        %dma_start3A_345 = arith.constant 0 : i32
        %dma_start3A_346 = tpu.memref_slice %arg9[%rem3A_318, %dma_start3A_344, %dma_start3A_345] : memref<4x3x400xi32, #tpu.memory_space<vmem>> -> memref<1x1x400xi32, #tpu.memory_space<vmem>>
        %dma_start3A_347 = tpu.memref_squeeze %dma_start3A_346 : memref<1x1x400xi32, #tpu.memory_space<vmem>> -> memref<400xi32, #tpu.memory_space<vmem>>
        %dma_start3A_348 = tpu.memref_slice %arg4[%add3A_321] : memref<819200xi32, #tpu.memory_space<hbm>> -> memref<400xi32, #tpu.memory_space<hbm>>
        %dma_start3A_349 = tpu.memref_slice %arg11[%rem3A_318] : memref<4x!tpu.dma_semaphore, #tpu.memory_space<semaphore_mem>> -> memref<1x!tpu.dma_semaphore, #tpu.memory_space<semaphore_mem>>
        %dma_start3A_350 = tpu.memref_squeeze %dma_start3A_349 : memref<1x!tpu.dma_semaphore, #tpu.memory_space<semaphore_mem>> -> memref<!tpu.dma_semaphore, #tpu.memory_space<semaphore_mem>>
        %dma_start3A_351 = arith.constant 0 : i32
        %dma_start3A_352 = tpu.memref_slice %arg9[%rem3A_318, %dma_start3A_344, %dma_start3A_351] : memref<4x3x400xi32, #tpu.memory_space<vmem>> -> memref<1x1x400xi32, #tpu.memory_space<vmem>>
        %dma_start3A_353 = tpu.memref_squeeze %dma_start3A_352 : memref<1x1x400xi32, #tpu.memory_space<vmem>> -> memref<400xi32, #tpu.memory_space<vmem>>
        %dma_start3A_354 = tpu.memref_slice %arg4[%add3A_321] : memref<819200xi32, #tpu.memory_space<hbm>> -> memref<400xi32, #tpu.memory_space<hbm>>
        tpu.enqueue_dma source(%dma_start3A_354 : memref<400xi32, #tpu.memory_space<hbm>>) target(%dma_start3A_353 : memref<400xi32, #tpu.memory_space<vmem>>) target_semaphore(%dma_start3A_350 : memref<!tpu.dma_semaphore, #tpu.memory_space<semaphore_mem>>)
      } else {
      }
      %mul3A_216 = arith.constant 400 : i32
      %mul3A_217 = arith.muli %scan3A_210, %mul3A_216 : i32
      %add3A_218 = arith.addi %mul3A_2, %mul3A_217 : i32
      %dma_wait3A_219 = arith.constant 0 : i32
      %dma_wait3A_220 = arith.constant 0 : i32
      %dma_wait3A_221 = tpu.memref_slice %arg9[%rem3A_211, %dma_wait3A_219, %dma_wait3A_220] : memref<4x3x400xi32, #tpu.memory_space<vmem>> -> memref<1x1x400xi32, #tpu.memory_space<vmem>>
      %dma_wait3A_222 = tpu.memref_squeeze %dma_wait3A_221 : memref<1x1x400xi32, #tpu.memory_space<vmem>> -> memref<400xi32, #tpu.memory_space<vmem>>
      %dma_wait3A_223 = tpu.memref_slice %arg2[%add3A_218] : memref<819200xi32, #tpu.memory_space<hbm>> -> memref<400xi32, #tpu.memory_space<hbm>>
      %dma_wait3A_224 = tpu.memref_slice %arg11[%rem3A_211] : memref<4x!tpu.dma_semaphore, #tpu.memory_space<semaphore_mem>> -> memref<1x!tpu.dma_semaphore, #tpu.memory_space<semaphore_mem>>
      %dma_wait3A_225 = tpu.memref_squeeze %dma_wait3A_224 : memref<1x!tpu.dma_semaphore, #tpu.memory_space<semaphore_mem>> -> memref<!tpu.dma_semaphore, #tpu.memory_space<semaphore_mem>>
      %dma_wait3A_226 = arith.constant 0 : i32
      %dma_wait3A_227 = tpu.memref_slice %arg9[%rem3A_211, %dma_wait3A_219, %dma_wait3A_226] : memref<4x3x400xi32, #tpu.memory_space<vmem>> -> memref<1x1x400xi32, #tpu.memory_space<vmem>>
      %dma_wait3A_228 = tpu.memref_squeeze %dma_wait3A_227 : memref<1x1x400xi32, #tpu.memory_space<vmem>> -> memref<400xi32, #tpu.memory_space<vmem>>
      %dma_wait3A_229 = tpu.memref_slice %arg2[%add3A_218] : memref<819200xi32, #tpu.memory_space<hbm>> -> memref<400xi32, #tpu.memory_space<hbm>>
      tpu.wait_dma2 semaphore(%dma_wait3A_225 : memref<!tpu.dma_semaphore, #tpu.memory_space<semaphore_mem>>) src(%dma_wait3A_229 : memref<400xi32, #tpu.memory_space<hbm>>) dst(%dma_wait3A_228 : memref<400xi32, #tpu.memory_space<vmem>>)
      %dma_wait3A_230 = arith.constant 1 : i32
      %dma_wait3A_231 = arith.constant 0 : i32
      %dma_wait3A_232 = tpu.memref_slice %arg9[%rem3A_211, %dma_wait3A_230, %dma_wait3A_231] : memref<4x3x400xi32, #tpu.memory_space<vmem>> -> memref<1x1x400xi32, #tpu.memory_space<vmem>>
      %dma_wait3A_233 = tpu.memref_squeeze %dma_wait3A_232 : memref<1x1x400xi32, #tpu.memory_space<vmem>> -> memref<400xi32, #tpu.memory_space<vmem>>
      %dma_wait3A_234 = tpu.memref_slice %arg3[%add3A_218] : memref<819200xi32, #tpu.memory_space<hbm>> -> memref<400xi32, #tpu.memory_space<hbm>>
      %dma_wait3A_235 = tpu.memref_slice %arg11[%rem3A_211] : memref<4x!tpu.dma_semaphore, #tpu.memory_space<semaphore_mem>> -> memref<1x!tpu.dma_semaphore, #tpu.memory_space<semaphore_mem>>
      %dma_wait3A_236 = tpu.memref_squeeze %dma_wait3A_235 : memref<1x!tpu.dma_semaphore, #tpu.memory_space<semaphore_mem>> -> memref<!tpu.dma_semaphore, #tpu.memory_space<semaphore_mem>>
      %dma_wait3A_237 = arith.constant 0 : i32
      %dma_wait3A_238 = tpu.memref_slice %arg9[%rem3A_211, %dma_wait3A_230, %dma_wait3A_237] : memref<4x3x400xi32, #tpu.memory_space<vmem>> -> memref<1x1x400xi32, #tpu.memory_space<vmem>>
      %dma_wait3A_239 = tpu.memref_squeeze %dma_wait3A_238 : memref<1x1x400xi32, #tpu.memory_space<vmem>> -> memref<400xi32, #tpu.memory_space<vmem>>
      %dma_wait3A_240 = tpu.memref_slice %arg3[%add3A_218] : memref<819200xi32, #tpu.memory_space<hbm>> -> memref<400xi32, #tpu.memory_space<hbm>>
      tpu.wait_dma2 semaphore(%dma_wait3A_236 : memref<!tpu.dma_semaphore, #tpu.memory_space<semaphore_mem>>) src(%dma_wait3A_240 : memref<400xi32, #tpu.memory_space<hbm>>) dst(%dma_wait3A_239 : memref<400xi32, #tpu.memory_space<vmem>>)
      %dma_wait3A_241 = arith.constant 2 : i32
      %dma_wait3A_242 = arith.constant 0 : i32
      %dma_wait3A_243 = tpu.memref_slice %arg9[%rem3A_211, %dma_wait3A_241, %dma_wait3A_242] : memref<4x3x400xi32, #tpu.memory_space<vmem>> -> memref<1x1x400xi32, #tpu.memory_space<vmem>>
      %dma_wait3A_244 = tpu.memref_squeeze %dma_wait3A_243 : memref<1x1x400xi32, #tpu.memory_space<vmem>> -> memref<400xi32, #tpu.memory_space<vmem>>
      %dma_wait3A_245 = tpu.memref_slice %arg4[%add3A_218] : memref<819200xi32, #tpu.memory_space<hbm>> -> memref<400xi32, #tpu.memory_space<hbm>>
      %dma_wait3A_246 = tpu.memref_slice %arg11[%rem3A_211] : memref<4x!tpu.dma_semaphore, #tpu.memory_space<semaphore_mem>> -> memref<1x!tpu.dma_semaphore, #tpu.memory_space<semaphore_mem>>
      %dma_wait3A_247 = tpu.memref_squeeze %dma_wait3A_246 : memref<1x!tpu.dma_semaphore, #tpu.memory_space<semaphore_mem>> -> memref<!tpu.dma_semaphore, #tpu.memory_space<semaphore_mem>>
      %dma_wait3A_248 = arith.constant 0 : i32
      %dma_wait3A_249 = tpu.memref_slice %arg9[%rem3A_211, %dma_wait3A_241, %dma_wait3A_248] : memref<4x3x400xi32, #tpu.memory_space<vmem>> -> memref<1x1x400xi32, #tpu.memory_space<vmem>>
      %dma_wait3A_250 = tpu.memref_squeeze %dma_wait3A_249 : memref<1x1x400xi32, #tpu.memory_space<vmem>> -> memref<400xi32, #tpu.memory_space<vmem>>
      %dma_wait3A_251 = tpu.memref_slice %arg4[%add3A_218] : memref<819200xi32, #tpu.memory_space<hbm>> -> memref<400xi32, #tpu.memory_space<hbm>>
      tpu.wait_dma2 semaphore(%dma_wait3A_247 : memref<!tpu.dma_semaphore, #tpu.memory_space<semaphore_mem>>) src(%dma_wait3A_251 : memref<400xi32, #tpu.memory_space<hbm>>) dst(%dma_wait3A_250 : memref<400xi32, #tpu.memory_space<vmem>>)
      %ge3A = arith.constant 4 : i32
      %ge3A_252 = arith.cmpi sge, %scan3A_210, %ge3A : i32
      %convert_element_type3A_253 = arith.extui %ge3A_252 : i1 to i32
      %cond3A_254 = arith.constant 0 : i32
      %cond3A_255 = arith.cmpi ne, %convert_element_type3A_253, %cond3A_254 : i32
      scf.if %cond3A_255 {
        %sub3A = arith.constant 4 : i32
        %sub3A_313 = arith.subi %scan3A_210, %sub3A : i32
        %mul3A_314 = arith.constant 400 : i32
        %mul3A_315 = arith.muli %sub3A_313, %mul3A_314 : i32
        %add3A_316 = arith.addi %mul3A_2, %mul3A_315 : i32
        %dma_wait3A_317 = arith.constant 0 : i32
        %dma_wait3A_318 = arith.constant 0 : i32
        %dma_wait3A_319 = tpu.memref_slice %arg10[%rem3A_211, %dma_wait3A_317, %dma_wait3A_318] : memref<4x400x64xf32, #tpu.memory_space<vmem>> -> memref<1x400x64xf32, #tpu.memory_space<vmem>>
        %dma_wait3A_320 = tpu.memref_squeeze %dma_wait3A_319 : memref<1x400x64xf32, #tpu.memory_space<vmem>> -> memref<400x64xf32, #tpu.memory_space<vmem>>
        %dma_wait3A_321 = arith.constant 0 : i32
        %dma_wait3A_322 = tpu.memref_slice %arg8[%add3A_316, %dma_wait3A_321] : memref<819200x64xf32, #tpu.memory_space<hbm>> -> memref<400x64xf32, #tpu.memory_space<hbm>>
        %dma_wait3A_323 = tpu.memref_slice %arg14[%rem3A_211] : memref<4x!tpu.dma_semaphore, #tpu.memory_space<semaphore_mem>> -> memref<1x!tpu.dma_semaphore, #tpu.memory_space<semaphore_mem>>
        %dma_wait3A_324 = tpu.memref_squeeze %dma_wait3A_323 : memref<1x!tpu.dma_semaphore, #tpu.memory_space<semaphore_mem>> -> memref<!tpu.dma_semaphore, #tpu.memory_space<semaphore_mem>>
        %dma_wait3A_325 = arith.constant 0 : i32
        %dma_wait3A_326 = tpu.memref_slice %arg8[%add3A_316, %dma_wait3A_325] : memref<819200x64xf32, #tpu.memory_space<hbm>> -> memref<400x64xf32, #tpu.memory_space<hbm>>
        %dma_wait3A_327 = arith.constant 0 : i32
        %dma_wait3A_328 = arith.constant 0 : i32
        %dma_wait3A_329 = tpu.memref_slice %arg10[%rem3A_211, %dma_wait3A_327, %dma_wait3A_328] : memref<4x400x64xf32, #tpu.memory_space<vmem>> -> memref<1x400x64xf32, #tpu.memory_space<vmem>>
        %dma_wait3A_330 = tpu.memref_squeeze %dma_wait3A_329 : memref<1x400x64xf32, #tpu.memory_space<vmem>> -> memref<400x64xf32, #tpu.memory_space<vmem>>
        tpu.wait_dma2 semaphore(%dma_wait3A_324 : memref<!tpu.dma_semaphore, #tpu.memory_space<semaphore_mem>>) src(%dma_wait3A_330 : memref<400x64xf32, #tpu.memory_space<vmem>>) dst(%dma_wait3A_326 : memref<400x64xf32, #tpu.memory_space<hbm>>)
      } else {
      }
      %dma_start3A_256 = arith.constant 0 : i32
      %dma_start3A_257 = arith.constant 0 : i32
      %dma_start3A_258 = arith.constant 0 : i32
      %dma_start3A_259 = tpu.memref_slice %arg10[%rem3A_211, %dma_start3A_257, %dma_start3A_258] : memref<4x400x64xf32, #tpu.memory_space<vmem>> -> memref<1x400x64xf32, #tpu.memory_space<vmem>>
      %dma_start3A_260 = tpu.memref_squeeze %dma_start3A_259 : memref<1x400x64xf32, #tpu.memory_space<vmem>> -> memref<400x64xf32, #tpu.memory_space<vmem>>
      %dma_start3A_261 = arith.constant 0 : i32
      %dma_start3A_262 = tpu.memref_slice %arg9[%rem3A_211, %dma_start3A_256, %dma_start3A_261] : memref<4x3x400xi32, #tpu.memory_space<vmem>> -> memref<1x1x400xi32, #tpu.memory_space<vmem>>
      %dma_start3A_263 = tpu.memref_squeeze %dma_start3A_262 : memref<1x1x400xi32, #tpu.memory_space<vmem>> -> memref<400xi32, #tpu.memory_space<vmem>>
      %dma_start3A_264 = arith.constant 0 : i32
      %dma_start3A_265 = arith.constant 0 : i32
      %dma_start3A_266 = tpu.memref_slice %arg5[%dma_start3A_264, %dma_start3A_265] : memref<100000x64xf32, #tpu.memory_space<hbm>> -> memref<100000x64xf32, #tpu.memory_space<hbm>>
      %dma_start3A_267 = tpu.memref_slice %arg12[%rem3A_211] : memref<4x!tpu.dma_semaphore, #tpu.memory_space<semaphore_mem>> -> memref<1x!tpu.dma_semaphore, #tpu.memory_space<semaphore_mem>>
      %dma_start3A_268 = tpu.memref_squeeze %dma_start3A_267 : memref<1x!tpu.dma_semaphore, #tpu.memory_space<semaphore_mem>> -> memref<!tpu.dma_semaphore, #tpu.memory_space<semaphore_mem>>
      tpu.enqueue_indirect_dma source(%dma_start3A_266 : memref<100000x64xf32, #tpu.memory_space<hbm>>) target(%dma_start3A_260 : memref<400x64xf32, #tpu.memory_space<vmem>>) offsets(%dma_start3A_263 : memref<400xi32, #tpu.memory_space<vmem>>) semaphore(%dma_start3A_268 : memref<!tpu.dma_semaphore, #tpu.memory_space<semaphore_mem>>)
      %ge3A_269 = arith.constant 1 : i32
      %ge3A_270 = arith.cmpi sge, %scan3A_210, %ge3A_269 : i32
      %convert_element_type3A_271 = arith.extui %ge3A_270 : i1 to i32
      %cond3A_272 = arith.constant 0 : i32
      %cond3A_273 = arith.cmpi ne, %convert_element_type3A_271, %cond3A_272 : i32
      scf.if %cond3A_273 {
        %sub3A = arith.constant 1 : i32
        %sub3A_313 = arith.subi %scan3A_210, %sub3A : i32
        %add3A_314 = arith.constant 4 : i32
        %add3A_315 = arith.addi %sub3A_313, %add3A_314 : i32
        %rem3A_316 = arith.constant 4 : i32
        %rem3A_317 = arith.remsi %add3A_315, %rem3A_316 : i32
        %dma_wait3A_318 = arith.constant 1 : i32
        %dma_wait3A_319 = arith.constant 0 : i32
        %dma_wait3A_320 = arith.constant 0 : i32
        %dma_wait3A_321 = tpu.memref_slice %arg10[%rem3A_317, %dma_wait3A_319, %dma_wait3A_320] : memref<4x400x64xf32, #tpu.memory_space<vmem>> -> memref<1x400x64xf32, #tpu.memory_space<vmem>>
        %dma_wait3A_322 = tpu.memref_squeeze %dma_wait3A_321 : memref<1x400x64xf32, #tpu.memory_space<vmem>> -> memref<400x64xf32, #tpu.memory_space<vmem>>
        %dma_wait3A_323 = arith.constant 0 : i32
        %dma_wait3A_324 = tpu.memref_slice %arg9[%rem3A_317, %dma_wait3A_318, %dma_wait3A_323] : memref<4x3x400xi32, #tpu.memory_space<vmem>> -> memref<1x1x400xi32, #tpu.memory_space<vmem>>
        %dma_wait3A_325 = tpu.memref_squeeze %dma_wait3A_324 : memref<1x1x400xi32, #tpu.memory_space<vmem>> -> memref<400xi32, #tpu.memory_space<vmem>>
        %dma_wait3A_326 = arith.constant 0 : i32
        %dma_wait3A_327 = arith.constant 0 : i32
        %dma_wait3A_328 = tpu.memref_slice %arg6[%dma_wait3A_326, %dma_wait3A_327] : memref<1000x64xf32, #tpu.memory_space<hbm>> -> memref<1000x64xf32, #tpu.memory_space<hbm>>
        %dma_wait3A_329 = tpu.memref_slice %arg13[%rem3A_317] : memref<4x!tpu.dma_semaphore, #tpu.memory_space<semaphore_mem>> -> memref<1x!tpu.dma_semaphore, #tpu.memory_space<semaphore_mem>>
        %dma_wait3A_330 = tpu.memref_squeeze %dma_wait3A_329 : memref<1x!tpu.dma_semaphore, #tpu.memory_space<semaphore_mem>> -> memref<!tpu.dma_semaphore, #tpu.memory_space<semaphore_mem>>
        tpu.wait_indirect_dma semaphore(%dma_wait3A_330 : memref<!tpu.dma_semaphore, #tpu.memory_space<semaphore_mem>>) src(%dma_wait3A_328 : memref<1000x64xf32, #tpu.memory_space<hbm>>) dst(%dma_wait3A_322 : memref<400x64xf32, #tpu.memory_space<vmem>>)
        %dma_wait3A_331 = arith.constant 2 : i32
        %dma_wait3A_332 = arith.constant 0 : i32
        %dma_wait3A_333 = arith.constant 0 : i32
        %dma_wait3A_334 = tpu.memref_slice %arg10[%rem3A_317, %dma_wait3A_332, %dma_wait3A_333] : memref<4x400x64xf32, #tpu.memory_space<vmem>> -> memref<1x400x64xf32, #tpu.memory_space<vmem>>
        %dma_wait3A_335 = tpu.memref_squeeze %dma_wait3A_334 : memref<1x400x64xf32, #tpu.memory_space<vmem>> -> memref<400x64xf32, #tpu.memory_space<vmem>>
        %dma_wait3A_336 = arith.constant 0 : i32
        %dma_wait3A_337 = tpu.memref_slice %arg9[%rem3A_317, %dma_wait3A_331, %dma_wait3A_336] : memref<4x3x400xi32, #tpu.memory_space<vmem>> -> memref<1x1x400xi32, #tpu.memory_space<vmem>>
        %dma_wait3A_338 = tpu.memref_squeeze %dma_wait3A_337 : memref<1x1x400xi32, #tpu.memory_space<vmem>> -> memref<400xi32, #tpu.memory_space<vmem>>
        %dma_wait3A_339 = arith.constant 0 : i32
        %dma_wait3A_340 = arith.constant 0 : i32
        %dma_wait3A_341 = tpu.memref_slice %arg7[%dma_wait3A_339, %dma_wait3A_340] : memref<1000x64xf32, #tpu.memory_space<hbm>> -> memref<1000x64xf32, #tpu.memory_space<hbm>>
        %dma_wait3A_342 = tpu.memref_slice %arg13[%rem3A_317] : memref<4x!tpu.dma_semaphore, #tpu.memory_space<semaphore_mem>> -> memref<1x!tpu.dma_semaphore, #tpu.memory_space<semaphore_mem>>
        %dma_wait3A_343 = tpu.memref_squeeze %dma_wait3A_342 : memref<1x!tpu.dma_semaphore, #tpu.memory_space<semaphore_mem>> -> memref<!tpu.dma_semaphore, #tpu.memory_space<semaphore_mem>>
        tpu.wait_indirect_dma semaphore(%dma_wait3A_343 : memref<!tpu.dma_semaphore, #tpu.memory_space<semaphore_mem>>) src(%dma_wait3A_341 : memref<1000x64xf32, #tpu.memory_space<hbm>>) dst(%dma_wait3A_335 : memref<400x64xf32, #tpu.memory_space<vmem>>)
        %sub3A_344 = arith.constant 1 : i32
        %sub3A_345 = arith.subi %scan3A_210, %sub3A_344 : i32
        %mul3A_346 = arith.constant 400 : i32
        %mul3A_347 = arith.muli %sub3A_345, %mul3A_346 : i32
        %add3A_348 = arith.addi %mul3A_2, %mul3A_347 : i32
        %dma_start3A_349 = arith.constant 0 : i32
        %dma_start3A_350 = arith.constant 0 : i32
        %dma_start3A_351 = tpu.memref_slice %arg10[%rem3A_317, %dma_start3A_349, %dma_start3A_350] : memref<4x400x64xf32, #tpu.memory_space<vmem>> -> memref<1x400x64xf32, #tpu.memory_space<vmem>>
        %dma_start3A_352 = tpu.memref_squeeze %dma_start3A_351 : memref<1x400x64xf32, #tpu.memory_space<vmem>> -> memref<400x64xf32, #tpu.memory_space<vmem>>
        %dma_start3A_353 = arith.constant 0 : i32
        %dma_start3A_354 = tpu.memref_slice %arg8[%add3A_348, %dma_start3A_353] : memref<819200x64xf32, #tpu.memory_space<hbm>> -> memref<400x64xf32, #tpu.memory_space<hbm>>
        %dma_start3A_355 = tpu.memref_slice %arg14[%rem3A_317] : memref<4x!tpu.dma_semaphore, #tpu.memory_space<semaphore_mem>> -> memref<1x!tpu.dma_semaphore, #tpu.memory_space<semaphore_mem>>
        %dma_start3A_356 = tpu.memref_squeeze %dma_start3A_355 : memref<1x!tpu.dma_semaphore, #tpu.memory_space<semaphore_mem>> -> memref<!tpu.dma_semaphore, #tpu.memory_space<semaphore_mem>>
        %dma_start3A_357 = arith.constant 0 : i32
        %dma_start3A_358 = tpu.memref_slice %arg8[%add3A_348, %dma_start3A_357] : memref<819200x64xf32, #tpu.memory_space<hbm>> -> memref<400x64xf32, #tpu.memory_space<hbm>>
        %dma_start3A_359 = arith.constant 0 : i32
        %dma_start3A_360 = arith.constant 0 : i32
        %dma_start3A_361 = tpu.memref_slice %arg10[%rem3A_317, %dma_start3A_359, %dma_start3A_360] : memref<4x400x64xf32, #tpu.memory_space<vmem>> -> memref<1x400x64xf32, #tpu.memory_space<vmem>>
        %dma_start3A_362 = tpu.memref_squeeze %dma_start3A_361 : memref<1x400x64xf32, #tpu.memory_space<vmem>> -> memref<400x64xf32, #tpu.memory_space<vmem>>
        tpu.enqueue_dma source(%dma_start3A_362 : memref<400x64xf32, #tpu.memory_space<vmem>>) target(%dma_start3A_358 : memref<400x64xf32, #tpu.memory_space<hbm>>) target_semaphore(%dma_start3A_356 : memref<!tpu.dma_semaphore, #tpu.memory_space<semaphore_mem>>)
      } else {
      }
      %dma_wait3A_274 = arith.constant 0 : i32
      %dma_wait3A_275 = arith.constant 0 : i32
      %dma_wait3A_276 = arith.constant 0 : i32
      %dma_wait3A_277 = tpu.memref_slice %arg10[%rem3A_211, %dma_wait3A_275, %dma_wait3A_276] : memref<4x400x64xf32, #tpu.memory_space<vmem>> -> memref<1x400x64xf32, #tpu.memory_space<vmem>>
      %dma_wait3A_278 = tpu.memref_squeeze %dma_wait3A_277 : memref<1x400x64xf32, #tpu.memory_space<vmem>> -> memref<400x64xf32, #tpu.memory_space<vmem>>
      %dma_wait3A_279 = arith.constant 0 : i32
      %dma_wait3A_280 = tpu.memref_slice %arg9[%rem3A_211, %dma_wait3A_274, %dma_wait3A_279] : memref<4x3x400xi32, #tpu.memory_space<vmem>> -> memref<1x1x400xi32, #tpu.memory_space<vmem>>
      %dma_wait3A_281 = tpu.memref_squeeze %dma_wait3A_280 : memref<1x1x400xi32, #tpu.memory_space<vmem>> -> memref<400xi32, #tpu.memory_space<vmem>>
      %dma_wait3A_282 = arith.constant 0 : i32
      %dma_wait3A_283 = arith.constant 0 : i32
      %dma_wait3A_284 = tpu.memref_slice %arg5[%dma_wait3A_282, %dma_wait3A_283] : memref<100000x64xf32, #tpu.memory_space<hbm>> -> memref<100000x64xf32, #tpu.memory_space<hbm>>
      %dma_wait3A_285 = tpu.memref_slice %arg12[%rem3A_211] : memref<4x!tpu.dma_semaphore, #tpu.memory_space<semaphore_mem>> -> memref<1x!tpu.dma_semaphore, #tpu.memory_space<semaphore_mem>>
      %dma_wait3A_286 = tpu.memref_squeeze %dma_wait3A_285 : memref<1x!tpu.dma_semaphore, #tpu.memory_space<semaphore_mem>> -> memref<!tpu.dma_semaphore, #tpu.memory_space<semaphore_mem>>
      tpu.wait_indirect_dma semaphore(%dma_wait3A_286 : memref<!tpu.dma_semaphore, #tpu.memory_space<semaphore_mem>>) src(%dma_wait3A_284 : memref<100000x64xf32, #tpu.memory_space<hbm>>) dst(%dma_wait3A_278 : memref<400x64xf32, #tpu.memory_space<vmem>>)
      %dma_start3A_287 = arith.constant 1 : i32
      %dma_start3A_288 = arith.constant 0 : i32
      %dma_start3A_289 = arith.constant 0 : i32
      %dma_start3A_290 = tpu.memref_slice %arg10[%rem3A_211, %dma_start3A_288, %dma_start3A_289] : memref<4x400x64xf32, #tpu.memory_space<vmem>> -> memref<1x400x64xf32, #tpu.memory_space<vmem>>
      %dma_start3A_291 = tpu.memref_squeeze %dma_start3A_290 : memref<1x400x64xf32, #tpu.memory_space<vmem>> -> memref<400x64xf32, #tpu.memory_space<vmem>>
      %dma_start3A_292 = arith.constant 0 : i32
      %dma_start3A_293 = tpu.memref_slice %arg9[%rem3A_211, %dma_start3A_287, %dma_start3A_292] : memref<4x3x400xi32, #tpu.memory_space<vmem>> -> memref<1x1x400xi32, #tpu.memory_space<vmem>>
      %dma_start3A_294 = tpu.memref_squeeze %dma_start3A_293 : memref<1x1x400xi32, #tpu.memory_space<vmem>> -> memref<400xi32, #tpu.memory_space<vmem>>
      %dma_start3A_295 = arith.constant 0 : i32
      %dma_start3A_296 = arith.constant 0 : i32
      %dma_start3A_297 = tpu.memref_slice %arg6[%dma_start3A_295, %dma_start3A_296] : memref<1000x64xf32, #tpu.memory_space<hbm>> -> memref<1000x64xf32, #tpu.memory_space<hbm>>
      %dma_start3A_298 = tpu.memref_slice %arg13[%rem3A_211] : memref<4x!tpu.dma_semaphore, #tpu.memory_space<semaphore_mem>> -> memref<1x!tpu.dma_semaphore, #tpu.memory_space<semaphore_mem>>
      %dma_start3A_299 = tpu.memref_squeeze %dma_start3A_298 : memref<1x!tpu.dma_semaphore, #tpu.memory_space<semaphore_mem>> -> memref<!tpu.dma_semaphore, #tpu.memory_space<semaphore_mem>>
      tpu.enqueue_indirect_dma source(%dma_start3A_297 : memref<1000x64xf32, #tpu.memory_space<hbm>>) target(%dma_start3A_291 : memref<400x64xf32, #tpu.memory_space<vmem>>) offsets(%dma_start3A_294 : memref<400xi32, #tpu.memory_space<vmem>>) semaphore(%dma_start3A_299 : memref<!tpu.dma_semaphore, #tpu.memory_space<semaphore_mem>>) {add = true}
      %dma_start3A_300 = arith.constant 2 : i32
      %dma_start3A_301 = arith.constant 0 : i32
      %dma_start3A_302 = arith.constant 0 : i32
      %dma_start3A_303 = tpu.memref_slice %arg10[%rem3A_211, %dma_start3A_301, %dma_start3A_302] : memref<4x400x64xf32, #tpu.memory_space<vmem>> -> memref<1x400x64xf32, #tpu.memory_space<vmem>>
      %dma_start3A_304 = tpu.memref_squeeze %dma_start3A_303 : memref<1x400x64xf32, #tpu.memory_space<vmem>> -> memref<400x64xf32, #tpu.memory_space<vmem>>
      %dma_start3A_305 = arith.constant 0 : i32
      %dma_start3A_306 = tpu.memref_slice %arg9[%rem3A_211, %dma_start3A_300, %dma_start3A_305] : memref<4x3x400xi32, #tpu.memory_space<vmem>> -> memref<1x1x400xi32, #tpu.memory_space<vmem>>
      %dma_start3A_307 = tpu.memref_squeeze %dma_start3A_306 : memref<1x1x400xi32, #tpu.memory_space<vmem>> -> memref<400xi32, #tpu.memory_space<vmem>>
      %dma_start3A_308 = arith.constant 0 : i32
      %dma_start3A_309 = arith.constant 0 : i32
      %dma_start3A_310 = tpu.memref_slice %arg7[%dma_start3A_308, %dma_start3A_309] : memref<1000x64xf32, #tpu.memory_space<hbm>> -> memref<1000x64xf32, #tpu.memory_space<hbm>>
      %dma_start3A_311 = tpu.memref_slice %arg13[%rem3A_211] : memref<4x!tpu.dma_semaphore, #tpu.memory_space<semaphore_mem>> -> memref<1x!tpu.dma_semaphore, #tpu.memory_space<semaphore_mem>>
      %dma_start3A_312 = tpu.memref_squeeze %dma_start3A_311 : memref<1x!tpu.dma_semaphore, #tpu.memory_space<semaphore_mem>> -> memref<!tpu.dma_semaphore, #tpu.memory_space<semaphore_mem>>
      tpu.enqueue_indirect_dma source(%dma_start3A_310 : memref<1000x64xf32, #tpu.memory_space<hbm>>) target(%dma_start3A_304 : memref<400x64xf32, #tpu.memory_space<vmem>>) offsets(%dma_start3A_307 : memref<400xi32, #tpu.memory_space<vmem>>) semaphore(%dma_start3A_312 : memref<!tpu.dma_semaphore, #tpu.memory_space<semaphore_mem>>) {add = true}
    }
    %scan3A_88 = arith.constant 64 : i32
    %dma_wait3A = arith.constant 3 : i32
    %dma_wait3A_89 = arith.constant 1 : i32
    %dma_wait3A_90 = arith.constant 3 : i32
    %dma_wait3A_91 = arith.constant 3 : i32
    %dma_wait3A_92 = arith.constant 0 : i32
    %dma_wait3A_93 = arith.constant 0 : i32
    %dma_wait3A_94 = tpu.memref_slice %arg10[%dma_wait3A_90, %dma_wait3A_92, %dma_wait3A_93] : memref<4x400x64xf32, #tpu.memory_space<vmem>> -> memref<1x400x64xf32, #tpu.memory_space<vmem>>
    %dma_wait3A_95 = tpu.memref_squeeze %dma_wait3A_94 : memref<1x400x64xf32, #tpu.memory_space<vmem>> -> memref<400x64xf32, #tpu.memory_space<vmem>>
    %dma_wait3A_96 = arith.constant 0 : i32
    %dma_wait3A_97 = tpu.memref_slice %arg9[%dma_wait3A, %dma_wait3A_89, %dma_wait3A_96] : memref<4x3x400xi32, #tpu.memory_space<vmem>> -> memref<1x1x400xi32, #tpu.memory_space<vmem>>
    %dma_wait3A_98 = tpu.memref_squeeze %dma_wait3A_97 : memref<1x1x400xi32, #tpu.memory_space<vmem>> -> memref<400xi32, #tpu.memory_space<vmem>>
    %dma_wait3A_99 = arith.constant 0 : i32
    %dma_wait3A_100 = arith.constant 0 : i32
    %dma_wait3A_101 = tpu.memref_slice %arg6[%dma_wait3A_99, %dma_wait3A_100] : memref<1000x64xf32, #tpu.memory_space<hbm>> -> memref<1000x64xf32, #tpu.memory_space<hbm>>
    %dma_wait3A_102 = tpu.memref_slice %arg13[%dma_wait3A_91] : memref<4x!tpu.dma_semaphore, #tpu.memory_space<semaphore_mem>> -> memref<1x!tpu.dma_semaphore, #tpu.memory_space<semaphore_mem>>
    %dma_wait3A_103 = tpu.memref_squeeze %dma_wait3A_102 : memref<1x!tpu.dma_semaphore, #tpu.memory_space<semaphore_mem>> -> memref<!tpu.dma_semaphore, #tpu.memory_space<semaphore_mem>>
    tpu.wait_indirect_dma semaphore(%dma_wait3A_103 : memref<!tpu.dma_semaphore, #tpu.memory_space<semaphore_mem>>) src(%dma_wait3A_101 : memref<1000x64xf32, #tpu.memory_space<hbm>>) dst(%dma_wait3A_95 : memref<400x64xf32, #tpu.memory_space<vmem>>)
    %dma_wait3A_104 = arith.constant 3 : i32
    %dma_wait3A_105 = arith.constant 2 : i32
    %dma_wait3A_106 = arith.constant 3 : i32
    %dma_wait3A_107 = arith.constant 3 : i32
    %dma_wait3A_108 = arith.constant 0 : i32
    %dma_wait3A_109 = arith.constant 0 : i32
    %dma_wait3A_110 = tpu.memref_slice %arg10[%dma_wait3A_106, %dma_wait3A_108, %dma_wait3A_109] : memref<4x400x64xf32, #tpu.memory_space<vmem>> -> memref<1x400x64xf32, #tpu.memory_space<vmem>>
    %dma_wait3A_111 = tpu.memref_squeeze %dma_wait3A_110 : memref<1x400x64xf32, #tpu.memory_space<vmem>> -> memref<400x64xf32, #tpu.memory_space<vmem>>
    %dma_wait3A_112 = arith.constant 0 : i32
    %dma_wait3A_113 = tpu.memref_slice %arg9[%dma_wait3A_104, %dma_wait3A_105, %dma_wait3A_112] : memref<4x3x400xi32, #tpu.memory_space<vmem>> -> memref<1x1x400xi32, #tpu.memory_space<vmem>>
    %dma_wait3A_114 = tpu.memref_squeeze %dma_wait3A_113 : memref<1x1x400xi32, #tpu.memory_space<vmem>> -> memref<400xi32, #tpu.memory_space<vmem>>
    %dma_wait3A_115 = arith.constant 0 : i32
    %dma_wait3A_116 = arith.constant 0 : i32
    %dma_wait3A_117 = tpu.memref_slice %arg7[%dma_wait3A_115, %dma_wait3A_116] : memref<1000x64xf32, #tpu.memory_space<hbm>> -> memref<1000x64xf32, #tpu.memory_space<hbm>>
    %dma_wait3A_118 = tpu.memref_slice %arg13[%dma_wait3A_107] : memref<4x!tpu.dma_semaphore, #tpu.memory_space<semaphore_mem>> -> memref<1x!tpu.dma_semaphore, #tpu.memory_space<semaphore_mem>>
    %dma_wait3A_119 = tpu.memref_squeeze %dma_wait3A_118 : memref<1x!tpu.dma_semaphore, #tpu.memory_space<semaphore_mem>> -> memref<!tpu.dma_semaphore, #tpu.memory_space<semaphore_mem>>
    tpu.wait_indirect_dma semaphore(%dma_wait3A_119 : memref<!tpu.dma_semaphore, #tpu.memory_space<semaphore_mem>>) src(%dma_wait3A_117 : memref<1000x64xf32, #tpu.memory_space<hbm>>) dst(%dma_wait3A_111 : memref<400x64xf32, #tpu.memory_space<vmem>>)
    %add3A_120 = arith.constant 25200 : i32
    %add3A_121 = arith.addi %mul3A_2, %add3A_120 : i32
    %dma_start3A_122 = arith.constant 3 : i32
    %dma_start3A_123 = arith.constant 3 : i32
    %dma_start3A_124 = arith.constant 0 : i32
    %dma_start3A_125 = arith.constant 0 : i32
    %dma_start3A_126 = tpu.memref_slice %arg10[%dma_start3A_122, %dma_start3A_124, %dma_start3A_125] : memref<4x400x64xf32, #tpu.memory_space<vmem>> -> memref<1x400x64xf32, #tpu.memory_space<vmem>>
    %dma_start3A_127 = tpu.memref_squeeze %dma_start3A_126 : memref<1x400x64xf32, #tpu.memory_space<vmem>> -> memref<400x64xf32, #tpu.memory_space<vmem>>
    %dma_start3A_128 = arith.constant 0 : i32
    %dma_start3A_129 = tpu.memref_slice %arg8[%add3A_121, %dma_start3A_128] : memref<819200x64xf32, #tpu.memory_space<hbm>> -> memref<400x64xf32, #tpu.memory_space<hbm>>
    %dma_start3A_130 = tpu.memref_slice %arg14[%dma_start3A_123] : memref<4x!tpu.dma_semaphore, #tpu.memory_space<semaphore_mem>> -> memref<1x!tpu.dma_semaphore, #tpu.memory_space<semaphore_mem>>
    %dma_start3A_131 = tpu.memref_squeeze %dma_start3A_130 : memref<1x!tpu.dma_semaphore, #tpu.memory_space<semaphore_mem>> -> memref<!tpu.dma_semaphore, #tpu.memory_space<semaphore_mem>>
    %dma_start3A_132 = arith.constant 0 : i32
    %dma_start3A_133 = tpu.memref_slice %arg8[%add3A_121, %dma_start3A_132] : memref<819200x64xf32, #tpu.memory_space<hbm>> -> memref<400x64xf32, #tpu.memory_space<hbm>>
    %dma_start3A_134 = arith.constant 0 : i32
    %dma_start3A_135 = arith.constant 0 : i32
    %dma_start3A_136 = tpu.memref_slice %arg10[%dma_start3A_122, %dma_start3A_134, %dma_start3A_135] : memref<4x400x64xf32, #tpu.memory_space<vmem>> -> memref<1x400x64xf32, #tpu.memory_space<vmem>>
    %dma_start3A_137 = tpu.memref_squeeze %dma_start3A_136 : memref<1x400x64xf32, #tpu.memory_space<vmem>> -> memref<400x64xf32, #tpu.memory_space<vmem>>
    tpu.enqueue_dma source(%dma_start3A_137 : memref<400x64xf32, #tpu.memory_space<vmem>>) target(%dma_start3A_133 : memref<400x64xf32, #tpu.memory_space<hbm>>) target_semaphore(%dma_start3A_131 : memref<!tpu.dma_semaphore, #tpu.memory_space<semaphore_mem>>)
    %add3A_138 = arith.constant 24000 : i32
    %add3A_139 = arith.addi %mul3A_2, %add3A_138 : i32
    %dma_wait3A_140 = arith.constant 0 : i32
    %dma_wait3A_141 = arith.constant 0 : i32
    %dma_wait3A_142 = arith.constant 0 : i32
    %dma_wait3A_143 = arith.constant 0 : i32
    %dma_wait3A_144 = tpu.memref_slice %arg10[%dma_wait3A_140, %dma_wait3A_142, %dma_wait3A_143] : memref<4x400x64xf32, #tpu.memory_space<vmem>> -> memref<1x400x64xf32, #tpu.memory_space<vmem>>
    %dma_wait3A_145 = tpu.memref_squeeze %dma_wait3A_144 : memref<1x400x64xf32, #tpu.memory_space<vmem>> -> memref<400x64xf32, #tpu.memory_space<vmem>>
    %dma_wait3A_146 = arith.constant 0 : i32
    %dma_wait3A_147 = tpu.memref_slice %arg8[%add3A_139, %dma_wait3A_146] : memref<819200x64xf32, #tpu.memory_space<hbm>> -> memref<400x64xf32, #tpu.memory_space<hbm>>
    %dma_wait3A_148 = tpu.memref_slice %arg14[%dma_wait3A_141] : memref<4x!tpu.dma_semaphore, #tpu.memory_space<semaphore_mem>> -> memref<1x!tpu.dma_semaphore, #tpu.memory_space<semaphore_mem>>
    %dma_wait3A_149 = tpu.memref_squeeze %dma_wait3A_148 : memref<1x!tpu.dma_semaphore, #tpu.memory_space<semaphore_mem>> -> memref<!tpu.dma_semaphore, #tpu.memory_space<semaphore_mem>>
    %dma_wait3A_150 = arith.constant 0 : i32
    %dma_wait3A_151 = tpu.memref_slice %arg8[%add3A_139, %dma_wait3A_150] : memref<819200x64xf32, #tpu.memory_space<hbm>> -> memref<400x64xf32, #tpu.memory_space<hbm>>
    %dma_wait3A_152 = arith.constant 0 : i32
    %dma_wait3A_153 = arith.constant 0 : i32
    %dma_wait3A_154 = tpu.memref_slice %arg10[%dma_wait3A_140, %dma_wait3A_152, %dma_wait3A_153] : memref<4x400x64xf32, #tpu.memory_space<vmem>> -> memref<1x400x64xf32, #tpu.memory_space<vmem>>
    %dma_wait3A_155 = tpu.memref_squeeze %dma_wait3A_154 : memref<1x400x64xf32, #tpu.memory_space<vmem>> -> memref<400x64xf32, #tpu.memory_space<vmem>>
    tpu.wait_dma2 semaphore(%dma_wait3A_149 : memref<!tpu.dma_semaphore, #tpu.memory_space<semaphore_mem>>) src(%dma_wait3A_155 : memref<400x64xf32, #tpu.memory_space<vmem>>) dst(%dma_wait3A_151 : memref<400x64xf32, #tpu.memory_space<hbm>>)
    %add3A_156 = arith.constant 24400 : i32
    %add3A_157 = arith.addi %mul3A_2, %add3A_156 : i32
    %dma_wait3A_158 = arith.constant 1 : i32
    %dma_wait3A_159 = arith.constant 1 : i32
    %dma_wait3A_160 = arith.constant 0 : i32
    %dma_wait3A_161 = arith.constant 0 : i32
    %dma_wait3A_162 = tpu.memref_slice %arg10[%dma_wait3A_158, %dma_wait3A_160, %dma_wait3A_161] : memref<4x400x64xf32, #tpu.memory_space<vmem>> -> memref<1x400x64xf32, #tpu.memory_space<vmem>>
    %dma_wait3A_163 = tpu.memref_squeeze %dma_wait3A_162 : memref<1x400x64xf32, #tpu.memory_space<vmem>> -> memref<400x64xf32, #tpu.memory_space<vmem>>
    %dma_wait3A_164 = arith.constant 0 : i32
    %dma_wait3A_165 = tpu.memref_slice %arg8[%add3A_157, %dma_wait3A_164] : memref<819200x64xf32, #tpu.memory_space<hbm>> -> memref<400x64xf32, #tpu.memory_space<hbm>>
    %dma_wait3A_166 = tpu.memref_slice %arg14[%dma_wait3A_159] : memref<4x!tpu.dma_semaphore, #tpu.memory_space<semaphore_mem>> -> memref<1x!tpu.dma_semaphore, #tpu.memory_space<semaphore_mem>>
    %dma_wait3A_167 = tpu.memref_squeeze %dma_wait3A_166 : memref<1x!tpu.dma_semaphore, #tpu.memory_space<semaphore_mem>> -> memref<!tpu.dma_semaphore, #tpu.memory_space<semaphore_mem>>
    %dma_wait3A_168 = arith.constant 0 : i32
    %dma_wait3A_169 = tpu.memref_slice %arg8[%add3A_157, %dma_wait3A_168] : memref<819200x64xf32, #tpu.memory_space<hbm>> -> memref<400x64xf32, #tpu.memory_space<hbm>>
    %dma_wait3A_170 = arith.constant 0 : i32
    %dma_wait3A_171 = arith.constant 0 : i32
    %dma_wait3A_172 = tpu.memref_slice %arg10[%dma_wait3A_158, %dma_wait3A_170, %dma_wait3A_171] : memref<4x400x64xf32, #tpu.memory_space<vmem>> -> memref<1x400x64xf32, #tpu.memory_space<vmem>>
    %dma_wait3A_173 = tpu.memref_squeeze %dma_wait3A_172 : memref<1x400x64xf32, #tpu.memory_space<vmem>> -> memref<400x64xf32, #tpu.memory_space<vmem>>
    tpu.wait_dma2 semaphore(%dma_wait3A_167 : memref<!tpu.dma_semaphore, #tpu.memory_space<semaphore_mem>>) src(%dma_wait3A_173 : memref<400x64xf32, #tpu.memory_space<vmem>>) dst(%dma_wait3A_169 : memref<400x64xf32, #tpu.memory_space<hbm>>)
    %add3A_174 = arith.constant 24800 : i32
    %add3A_175 = arith.addi %mul3A_2, %add3A_174 : i32
    %dma_wait3A_176 = arith.constant 2 : i32
    %dma_wait3A_177 = arith.constant 2 : i32
    %dma_wait3A_178 = arith.constant 0 : i32
    %dma_wait3A_179 = arith.constant 0 : i32
    %dma_wait3A_180 = tpu.memref_slice %arg10[%dma_wait3A_176, %dma_wait3A_178, %dma_wait3A_179] : memref<4x400x64xf32, #tpu.memory_space<vmem>> -> memref<1x400x64xf32, #tpu.memory_space<vmem>>
    %dma_wait3A_181 = tpu.memref_squeeze %dma_wait3A_180 : memref<1x400x64xf32, #tpu.memory_space<vmem>> -> memref<400x64xf32, #tpu.memory_space<vmem>>
    %dma_wait3A_182 = arith.constant 0 : i32
    %dma_wait3A_183 = tpu.memref_slice %arg8[%add3A_175, %dma_wait3A_182] : memref<819200x64xf32, #tpu.memory_space<hbm>> -> memref<400x64xf32, #tpu.memory_space<hbm>>
    %dma_wait3A_184 = tpu.memref_slice %arg14[%dma_wait3A_177] : memref<4x!tpu.dma_semaphore, #tpu.memory_space<semaphore_mem>> -> memref<1x!tpu.dma_semaphore, #tpu.memory_space<semaphore_mem>>
    %dma_wait3A_185 = tpu.memref_squeeze %dma_wait3A_184 : memref<1x!tpu.dma_semaphore, #tpu.memory_space<semaphore_mem>> -> memref<!tpu.dma_semaphore, #tpu.memory_space<semaphore_mem>>
    %dma_wait3A_186 = arith.constant 0 : i32
    %dma_wait3A_187 = tpu.memref_slice %arg8[%add3A_175, %dma_wait3A_186] : memref<819200x64xf32, #tpu.memory_space<hbm>> -> memref<400x64xf32, #tpu.memory_space<hbm>>
    %dma_wait3A_188 = arith.constant 0 : i32
    %dma_wait3A_189 = arith.constant 0 : i32
    %dma_wait3A_190 = tpu.memref_slice %arg10[%dma_wait3A_176, %dma_wait3A_188, %dma_wait3A_189] : memref<4x400x64xf32, #tpu.memory_space<vmem>> -> memref<1x400x64xf32, #tpu.memory_space<vmem>>
    %dma_wait3A_191 = tpu.memref_squeeze %dma_wait3A_190 : memref<1x400x64xf32, #tpu.memory_space<vmem>> -> memref<400x64xf32, #tpu.memory_space<vmem>>
    tpu.wait_dma2 semaphore(%dma_wait3A_185 : memref<!tpu.dma_semaphore, #tpu.memory_space<semaphore_mem>>) src(%dma_wait3A_191 : memref<400x64xf32, #tpu.memory_space<vmem>>) dst(%dma_wait3A_187 : memref<400x64xf32, #tpu.memory_space<hbm>>)
    %add3A_192 = arith.constant 25200 : i32
    %add3A_193 = arith.addi %mul3A_2, %add3A_192 : i32
    %dma_wait3A_194 = arith.constant 3 : i32
    %dma_wait3A_195 = arith.constant 3 : i32
    %dma_wait3A_196 = arith.constant 0 : i32
    %dma_wait3A_197 = arith.constant 0 : i32
    %dma_wait3A_198 = tpu.memref_slice %arg10[%dma_wait3A_194, %dma_wait3A_196, %dma_wait3A_197] : memref<4x400x64xf32, #tpu.memory_space<vmem>> -> memref<1x400x64xf32, #tpu.memory_space<vmem>>
    %dma_wait3A_199 = tpu.memref_squeeze %dma_wait3A_198 : memref<1x400x64xf32, #tpu.memory_space<vmem>> -> memref<400x64xf32, #tpu.memory_space<vmem>>
    %dma_wait3A_200 = arith.constant 0 : i32
    %dma_wait3A_201 = tpu.memref_slice %arg8[%add3A_193, %dma_wait3A_200] : memref<819200x64xf32, #tpu.memory_space<hbm>> -> memref<400x64xf32, #tpu.memory_space<hbm>>
    %dma_wait3A_202 = tpu.memref_slice %arg14[%dma_wait3A_195] : memref<4x!tpu.dma_semaphore, #tpu.memory_space<semaphore_mem>> -> memref<1x!tpu.dma_semaphore, #tpu.memory_space<semaphore_mem>>
    %dma_wait3A_203 = tpu.memref_squeeze %dma_wait3A_202 : memref<1x!tpu.dma_semaphore, #tpu.memory_space<semaphore_mem>> -> memref<!tpu.dma_semaphore, #tpu.memory_space<semaphore_mem>>
    %dma_wait3A_204 = arith.constant 0 : i32
    %dma_wait3A_205 = tpu.memref_slice %arg8[%add3A_193, %dma_wait3A_204] : memref<819200x64xf32, #tpu.memory_space<hbm>> -> memref<400x64xf32, #tpu.memory_space<hbm>>
    %dma_wait3A_206 = arith.constant 0 : i32
    %dma_wait3A_207 = arith.constant 0 : i32
    %dma_wait3A_208 = tpu.memref_slice %arg10[%dma_wait3A_194, %dma_wait3A_206, %dma_wait3A_207] : memref<4x400x64xf32, #tpu.memory_space<vmem>> -> memref<1x400x64xf32, #tpu.memory_space<vmem>>
    %dma_wait3A_209 = tpu.memref_squeeze %dma_wait3A_208 : memref<1x400x64xf32, #tpu.memory_space<vmem>> -> memref<400x64xf32, #tpu.memory_space<vmem>>
    tpu.wait_dma2 semaphore(%dma_wait3A_203 : memref<!tpu.dma_semaphore, #tpu.memory_space<semaphore_mem>>) src(%dma_wait3A_209 : memref<400x64xf32, #tpu.memory_space<vmem>>) dst(%dma_wait3A_205 : memref<400x64xf32, #tpu.memory_space<hbm>>)
    return
  }
}

</mosaic_0001>

<sc_bundles>
// kernel: _run.3.cloned.1.call-start
scs
__scs_entry_jumppad:
0x0: {  	(pc) =	sbr.rel $0x88, $3  }
0x1: {  	(tag) =	ssettag $0x0;
	lr =	simm.s32 $0x1  }
0x2: {  	[smem:$0x3F9B] =	sst lr;
	_ =	strace $0xD0000000  }
0x3: {  	_ = 	snop  }
0x4: {  	_ = 	snop  }
0x5: {  	_ = 	snop  }
0x6: {  	_ = 	snop  }
0x7: {  	_ = 	snop  }
__scs_overlays_trampoline_lowered:
0x8: {  	[smem:$0x3FAA] =	sst s0  }
0x9: {  	[smem:$0x3FAB] =	sst s1  }
0xa: {  	[smem:$0x3FAC] =	sst s2  }
0xb: {  	[smem:$0x3FAD] =	sst s3  }
0xc: {  	[smem:$0x3FAE] =	sst s4  }
0xd: {  	[smem:$0x3FAF] =	sst s5  }
0xe: {  	[smem:$0x3FB0] =	sst s6  }
0xf: {  	[smem:$0x3FB1] =	sst s7  }
0x10: {  	[smem:$0x3FB2] =	sst s8  }
0x11: {  	[smem:$0x3FB3] =	sst s9;
	s0 =	simm.s32 @!p0 $0x0  }
0x12: {  	s1 =	sld [smem:$0x3F99];
	s0 =	simm.s32 @p0 $0x1  }
0x13: {  	[smem:$0x3FB4] =	sst s0;
	s0 =	simm.s32 @!p1 $0x0  }
0x14: {  	s2 =	sld [smem:$0x3F98];
	s0 =	simm.s32 @p1 $0x1  }
0x15: {  	[smem:$0x3FB5] =	sst s0;
	s0 =	simm.s32 @!p2 $0x0  }
0x16: {  	s3 =	sld [smem:$0x3FDB];
	s0 =	simm.s32 @p2 $0x1  }
0x17: {  	s4 =	simm.s32 $0x1BF5;
	[smem:$0x3FB7] =	sst s0  }
0x18: {  	s0 =	sld [smem:$0x3F9A];
	_ =	swait.ge [sflag:s4], $0x0  }
0x19: {  	s7 =	sld [smem:$0x3F9B]  }
0x1a: {  	s8 =	sadd.s32 $0xFFFFE003, lr  }
0x1b: {  	s9 =	sadd.s32 $0xFFFFFEF7, lr;
	s5 =	simm.s32 $0xFFFFFFFF;
	p2 =	slt.u32 s8, $0xFFFFF086  }
0x1c: {  	p1 =	slt.u32 s9, $0xF7A;
	s5 =	simm.s32 @!p2 $0x0  }
0x1d: {  	s5 =	simm.s32 @p1 $0x1;
	p0 =	seq.s32 s7, s2  }
0x1e: {  	s7 =	smul.u32 @!p0 $0xF7A, s2;
	p2 =	seq.s32 @!p0 s5, $0x0  }
0x1f: {  	s9 =	smul.u32 $0xF7A, s1;
	s8 =	simm.s32 @!p0 $0x1BF5;
	p2 =	por !p2, p0  }
0x20: {  	[sflag:s8] =	ssyncset.s32 @!p0 $0xFFFFF086;
	s6 =	sadd.s32 @!p0 s3, s7;
	s7 =	simm.s32 @!p0 $0x108  }
0x21: {  	s3 =	sadd.s32 s3, s9;
	s6 =	sadd.s32 @!p0 $0x88, s6;
	s7 =	simm.s32 @p2 $0x1082  }
0x22: {  	[simem:s7], [sflag:s8] =	dma.local @!p0 [hbm:s6], $0xF7A  }
0x23: {  	s9 =	sor.u32 $0xD0000000, s2;
	s6 =	simm.s32 $0x108;
	_ =	swait.ge @!p0 [sflag:s8], $0x0  }
0x24: {  	s3 =	sadd.s32 $0x88, s3;
	s6 =	simm.s32 @!p1 $0x1082;
	[sflag:s4] =	ssyncset.s32 $0xFFFFF086  }
0x25: {  	[simem:s6], [sflag:s4] =	dma.local [hbm:s3], $0xF7A  }
0x26: {  	[smem:$0x3F9B] =	sst s1;
	(tag) =	ssettag s2;
	_ =	strace s9  }
0x27: {  	s1 =	sld [smem:$0x3FAB]  }
0x28: {  	s2 =	sld [smem:$0x3FAC]  }
0x29: {  	s4 =	sld [smem:$0x3FAE]  }
0x2a: {  	p0 =	seq.s32 s5, $0x0;
	s5 =	sld [smem:$0x3FAF]  }
0x2b: {  	s6 =	sld [smem:$0x3FB0]  }
0x2c: {  	s7 =	sld [smem:$0x3FB1]  }
0x2d: {  	s3 =	simm.s32 $0x108;
	s8 =	sld [smem:$0x3FB2]  }
0x2e: {  	s3 =	simm.s32 @!p0 $0x1082;
	s9 =	sld [smem:$0x3FB3]  }
0x2f: {  	lr =	sadd.s32 s0, s3;
	s0 =	sld [smem:$0x3FAA]  }
0x30: {  	s3 =	sld [smem:$0x3FAD]  }
0x31: {  	[smem:$0x3FB6] =	sst s10  }
0x32: {  	s10 =	sld [smem:$0x3FB4];
	_ =	sdelay $0x3  }
0x33: {  	p0 =	seq.s32 s10, $0x1;
	s10 =	sld [smem:$0x3FB6];
	_ =	sdelay $0x3  }
0x34: {  	[smem:$0x3FB6] =	sst s10  }
0x35: {  	s10 =	sld [smem:$0x3FB5];
	_ =	sdelay $0x3  }
0x36: {  	p1 =	seq.s32 s10, $0x1;
	s10 =	sld [smem:$0x3FB6];
	_ =	sdelay $0x3  }
0x37: {  	[smem:$0x3FB6] =	sst s10  }
0x38: {  	s10 =	sld [smem:$0x3FB7]  }
0x39: {  	_ = 	snop;
	(pc) =	sbr.ind lr, $3  }
0x3a: {  	_ = 	snop  }
0x3b: {  	_ = 	snop  }
0x3c: {  	p2 =	seq.s32 s10, $0x1;
	s10 =	sld [smem:$0x3FB6]  }
0x3d: {  	_ =	shalt  }
0x3e: {  	_ =	shalt  }
0x3f: {  	_ =	shalt  }
0x40: {  	_ =	shalt  }
0x41: {  	_ =	shalt  }
0x42: {  	_ =	shalt  }
0x43: {  	_ =	shalt  }
0x44: {  	_ =	shalt  }
0x45: {  	_ =	shalt  }
0x46: {  	_ =	shalt  }
0x47: {  	_ =	shalt  }
0x48: {  	_ =	shalt  }
0x49: {  	_ =	shalt  }
0x4a: {  	_ =	shalt  }
0x4b: {  	_ =	shalt  }
0x4c: {  	_ =	shalt  }
0x4d: {  	_ =	shalt  }
0x4e: {  	_ =	shalt  }
0x4f: {  	_ =	shalt  }
0x50: {  	_ =	shalt  }
0x51: {  	_ =	shalt  }
0x52: {  	_ =	shalt  }
0x53: {  	_ =	shalt  }
0x54: {  	_ =	shalt  }
0x55: {  	_ =	shalt  }
0x56: {  	_ =	shalt  }
0x57: {  	_ =	shalt  }
0x58: {  	_ =	shalt  }
0x59: {  	_ =	shalt  }
0x5a: {  	_ =	shalt  }
0x5b: {  	_ =	shalt  }
0x5c: {  	_ =	shalt  }
0x5d: {  	_ =	shalt  }
0x5e: {  	_ =	shalt  }
0x5f: {  	_ =	shalt  }
0x60: {  	_ =	shalt  }
0x61: {  	_ =	shalt  }
0x62: {  	_ =	shalt  }
0x63: {  	_ =	shalt  }
0x64: {  	_ =	shalt  }
0x65: {  	_ =	shalt  }
0x66: {  	_ =	shalt  }
0x67: {  	_ =	shalt  }
0x68: {  	_ =	shalt  }
0x69: {  	_ =	shalt  }
0x6a: {  	_ =	shalt  }
0x6b: {  	_ =	shalt  }
0x6c: {  	_ =	shalt  }
0x6d: {  	_ =	shalt  }
0x6e: {  	_ =	shalt  }
0x6f: {  	_ =	shalt  }
0x70: {  	_ =	shalt  }
0x71: {  	_ =	shalt  }
0x72: {  	_ =	shalt  }
0x73: {  	_ =	shalt  }
0x74: {  	_ =	shalt  }
0x75: {  	_ =	shalt  }
0x76: {  	_ =	shalt  }
0x77: {  	_ =	shalt  }
0x78: {  	_ =	shalt  }
0x79: {  	_ =	shalt  }
0x7a: {  	_ =	shalt  }
0x7b: {  	_ =	shalt  }
0x7c: {  	_ =	shalt  }
0x7d: {  	_ =	shalt  }
0x7e: {  	_ =	shalt  }
0x7f: {  	_ =	shalt  }
0x80: {  	_ =	shalt  }
0x81: {  	_ =	shalt  }
0x82: {  	_ =	shalt  }
0x83: {  	_ =	shalt  }
0x84: {  	_ =	shalt  }
0x85: {  	_ =	shalt  }
0x86: {  	_ =	shalt  }
0x87: {  	_ =	shalt  }
.Lfunc_end0:
.L_simem_size_0:
called_computation.1_lowered:
.L_overlay_start_0:
0x88: {  	s2 =	sld [smem:$0x3FD9]  }
0x89: {  	s3 =	sld [smem:$0x3FFE];
	_ =	sdelay $0x1  }
0x8a: {  	s1 =	srdreg.scid  }
0x8b: {  	s0 =	sand.u32 $0x1, s1  }
0x8c: {  	s17 =	sshll.u32 s0, $0xA;
	s2 =	sadd.s32 s3, s2  }
0x8d: {  	s2 =	sadd.s32 s2, s17  }
0x8e: {  	[smem:$0x3FC2] =	sst s2  }
0x8f: {  	_ = 	snop  }
0x90: {  	s2 =	sld [smem:$0x3FD0];
	(tm) =	ssettm $0x1  }
0x91: {  	s18 =	sld [smem:$0x3FFB];
	_ =	sdelay $0x3  }
0x92: {  	_ =	strace s18  }
0x93: {  	s3 =	sld [smem:$0x3FFC];
	_ =	sdelay $0x3  }
0x94: {  	_ =	strace s3  }
0x95: {  	s3 =	sld [smem:$0x3FFD];
	_ =	sdelay $0x3  }
0x96: {  	_ =	strace s3  }
0x97: {  	_ =	strace $0x8FFFFFFF  }
0x98: {  	s19 =	sld [smem:$0x3FDB];
	_ =	sdelay $0x1  }
0x99: {  	s4 =	simm.s32 $_scs_section_size  }
0x9a: {  	s5 =	simm.s32 $_size__tile_overlayer_lowered;
	s6 =	simm.s32 $_tile_overlayer_lowered  }
0x9b: {  	s22 =	simm.s32 $0x1BFF;
	s21 =	sshll.u32 s6, $0x1;
	s3 =	sadd.s32 s4, s19  }
0x9c: {  	s7 =	simm.s32 $0x0;
	s20 =	sshll.u32 s5, $0x1;
	s5 =	sadd.s32 s21, s3  }
0x9d: {  	[timem:s7], [sflag:s22] =	dma.local [hbm:s5], s20  }
0x9e: {  	_ =	swait.ge [sflag:s22], s20  }
0x9f: {  	s4 =	ssub.s32 $0x0, s20;
	[sflag:s22] =	ssyncset.done $0x0  }
0xa0: {  	[sflag:s22] =	ssyncadd.s32 s4;
	_ =	sdelay $0x1  }
0xa1: {  	s23 =	simm.s32 $0x1B8B  }
0xa2: {  	_ =	swait.ge [sflag:s23], $0x1  }
0xa3: {  	[sflag:s23] =	ssyncset.done $0x0  }
0xa4: {  	s25 =	simm.s32 $0x1B8E;
	s24 =	sld [smem:$0x3FFE];
	[sflag:s23] =	ssyncadd.s32 $0xFFFFFFFF  }
0xa5: {  	s26 =	simm.s32 $execute0_lowered;
	[smem:$0x3FD2] =	sst s25  }
0xa6: {  	s5 =	sshll.u32 s26, $0x1;
	_ =	strace $0x80000046;
	[dreg:$0x1] =	wrdreg $0xFFFFFFFF  }
0xa7: {  	s28 =	simm.s32 $_size_execute0_lowered;
	s3 =	sadd.s32 s3, s5;
	[dreg:$0x0] =	wrdreg $0x0  }
0xa8: {  	s5 =	sshll.u32 s28, $0x1;
	[dreg:$0x2] =	wrdreg s3  }
0xa9: {  	[dreg:$0x3] =	wrdreg s5  }
0xaa: {  	[dreg:$0x4] =	wrdreg $0xC0  }
0xab: {  	_ =	task [dreg:s7], $0x5FFFF  }
0xac: {  	[dreg:$0x1] =	wrdreg $0xFFFFFFFF  }
0xad: {  	[dreg:$0x0] =	wrdreg $0x60  }
0xae: {  	[dreg:$0x2] =	wrdreg s24  }
0xaf: {  	[dreg:$0x3] =	wrdreg s2  }
0xb0: {  	[dreg:$0x4] =	wrdreg $0x9  }
0xb1: {  	_ =	task.clear_ibuf [dreg:s7], $0x5FFFF;
	_ =	strace $0x90000046  }
0xb2: {  	s29 =	simm.s32 $0x9;
	_ =	strace $0x80000048  }
0xb3: {  	_ =	swait.ge [sflag:s29], $0x1  }
0xb4: {  	[sflag:s29] =	ssyncadd.s32 $0xFFFFFFFF  }
0xb5: {  	_ =	strace $0x90000048  }
0xb6: {  	_ =	sfence  }
0xb7: {  	s30 =	sld [smem:$0x0];
	_ =	sdelay $0x2  }
0xb8: {  	s31 =	sshll.u32 s1, $0xD;
	s1 =	sshrl.u32 s1, $0x2  }
0xb9: {  	s3 =	sand.u32 $0x4000, s31;
	s1 =	sadd.s32 s1, s30  }
0xba: {  	s0 =	sor.u32 s3, s0;
	s1 =	sshll.u32 s1, $0x11  }
0xbb: {  	s0 =	sor.u32 s1, s0  }
0xbc: {  	s0 =	sadd.s32 $0x8F2B, s0  }
0xbd: {  	[sflag:s0] =	ssyncadd.remote.s32 $0x1  }
0xbe: {  	_ =	sfence.sel $0xFFFF  }
0xbf: {  	[dreg:$0x0] =	wrdreg $0xFFFFFFFF;
	(pc) =	sbr.abs _section_cstart, $3  }
0xc0: {  	[dreg:$0x1] =	wrdreg $0xFFFFFFFF  }
0xc1: {  	_ =	task.clear_ibuf [dreg:s7], $0x2FFFF;
	_ =	strace $0x9FFFFFFF  }
0xc2: {  	(tm) =	ssettm $0x7FFFFFFF  }
0xc3: {  	_ =	shalt  }
tec
execute0_lowered:
.L_overlay_start_1:
0x0: {  	(tag) =	ssettag $0x1  }
0x1: {  	s0 =	rddreg [dreg:$0x0]  }
0x2: {  	s1 =	rddreg [dreg:$0x1]  }
0x3: {  	s3 =	simm.s32 $0x0;
	s2 =	srdreg.scid;
	s12 =	stileid.u32  }
0x4: {  	s28 =	simm.s32 $0xE;
	s29 =	simm.s32 $0xF;
	s30 =	simm.s32 $0x10  }
0x5: {  	s31 =	simm.s32 $0x0;
	[smem:$0x7FF] =	sst s3;
	s7 =	sadd.s32 $0x4C00, s0  }
0x6: {  	s2 =	sand.u32 $0x1, s2;
	s4 =	sshll.u32 s12, $0x1;
	s8 =	sadd.s32 $0x1DC00, s0  }
0x7: {  	s15 =	sadd.s32 $0x36C00, s0;
	s5 =	sadd.s32 $0xC00, s0;
	s12 =	smul.u32 $0xC800, s12  }
0x8: {  	s9 =	sor.u32 s2, s4;
	s19 =	ssub.s32 $0x2, s2;
	s2 =	smul.u32 $0x6400, s2  }
0x9: {  	s6 =	sadd.s32 $0x2C00, s0;
	_ =	strace $0x80000047;
	s10 =	smul.u32 $0x6400, s9  }
0xa: {  	s4 =	sadd.s32 $0x4FC00, s0;
	s11 =	smul.u32 $0x190000, s9;
	s20 =	sshrl.u32 s19, $0x1  }
0xb: {  	s0 =	ssub.s32 s19, s20;
	s2 =	sadd.s32 s2, s12;
	s19 =	simm.s32 $0x190  }
0xc: {  	s10 =	sshrl.u32 s10, $0x3;
	s14 =	sshrl.u32 s11, $0x3;
	s16 =	sor.u32 $0x320, s2  }
0xd: {  	s26 =	sshll.u32 s2, $0x3;
	s21 =	sadd.s32 s7, s10;
	s22 =	sadd.s32 s8, s10  }
0xe: {  	s23 =	sadd.s32 s15, s10;
	s13 =	sor.u32 $0x32, s10;
	[dreg:$0x3] =	wrdreg s21  }
0xf: {  	s14 =	sadd.s32 s1, s14;
	s16 =	sshrl.u32 s16, $0x3;
	[dreg:$0x4] =	wrdreg s22  }
.Ltmp0:
0x10: {  	[dreg:$0x5] =	wrdreg s23;
	s24 =	sadd.s32 s7, s13;
	(pc) =	sbr.rel .LBB2_1-.Ltmp0, $4  }
0x11: {  	s25 =	sadd.s32 s8, s13;
	s12 =	sadd.s32 s15, s13;
	s13 =	sadd.s32 $0x31380, s14  }
0x12: {  	s14 =	smax.u32 s0, $0x1;
	s21 =	sadd.s32 s16, s15;
	s20 =	sadd.s32 s16, s8  }
0x13: {  	s2 =	sadd.s32 s16, s7;
	s0 =	sadd.s32 $0x1FFFF380, s26;
	[dreg:$0x6] =	wrdreg s24  }
0x14: {  	s26 =	simm.s32 $0xD;
	[dreg:$0x7] =	wrdreg s25;
	s24 =	simm.s32 $0xC  }
.LBB2_7:
0x15: {  	_ =	swait.ge [sflag:s24], $0x6400  }
0x16: {  	[sflag:s24] =	ssyncset.done $0x0  }
0x17: {  	[sflag:s24] =	ssyncadd.s32 $0xFFFF9C00  }
0x18: {  	_ =	swait.ge [sflag:s24], $0x6400  }
0x19: {  	[sflag:s24] =	ssyncset.done $0x0  }
0x1a: {  	s7 =	simm.s32 $0x13EC0;
	[sflag:s24] =	ssyncadd.s32 $0xFFFF9C00  }
0x1b: {  	[hbm4b:s13+s3] =	stream.linear.scatter [tilespmem:s7], [sflag:$0x10], $0x6400, $0x38;
	[tilespmem:$0x1A2C0] =	vst v63  }
0x1c: {  	_ =	swait.ge [sflag:s26], $0x6400  }
0x1d: {  	[sflag:s26] =	ssyncset.done $0x0  }
0x1e: {  	[sflag:s26] =	ssyncadd.s32 $0xFFFF9C00  }
0x1f: {  	_ =	swait.ge [sflag:s28], $0x6400  }
0x20: {  	[sflag:s28] =	ssyncset.done $0x0  }
0x21: {  	s31 =	sadd.s32 $0x1, s31;
	[sflag:s28] =	ssyncadd.s32 $0xFFFF9C00  }
0x22: {  	p0 =	sne.s32 s31, s14;
	_ =	swait.ge [sflag:s29], $0x6400  }
.Ltmp1:
0x23: {  	[sflag:s29] =	ssyncset.done $0x0;
	(pc) =	sbr.rel @!p0 .LBB2_8-.Ltmp1, $4  }
0x24: {  	[sflag:s29] =	ssyncadd.s32 $0xFFFF9C00  }
0x25: {  	_ =	swait.ge [sflag:s30], $0x6400  }
0x26: {  	[sflag:s30] =	ssyncset.done $0x0  }
0x27: {  	[sflag:s30] =	ssyncadd.s32 $0xFFFF9C00  }
.LBB2_1:
0x28: {  	s7 =	rddreg [dreg:$0x3]  }
0x29: {  	[tilespmem:s3], [sflag:$0x1] =	stream.linear.gather [hbm4b:s7+s3], $0x190, $0x38;
	[tilespmem:$0x1A2C0] =	vst v63  }
0x2a: {  	s15 =	rddreg [dreg:$0x4]  }
0x2b: {  	[tilespmem:s19], [sflag:$0x1] =	stream.linear.gather [hbm4b:s15+s3], $0x190, $0x38;
	[tilespmem:$0x1A2C0] =	vst v63  }
0x2c: {  	s16 =	rddreg [dreg:$0x5];
	s8 =	simm.s32 $0x320  }
0x2d: {  	[tilespmem:s8], [sflag:$0x1] =	stream.linear.gather [hbm4b:s16+s3], $0x190, $0x38;
	[tilespmem:$0x1A2C0] =	vst v63  }
0x2e: {  	s17 =	rddreg [dreg:$0x6];
	s18 =	simm.s32 $0x4B0  }
0x2f: {  	[tilespmem:s18], [sflag:$0x2] =	stream.linear.gather [hbm4b:s17+s3], $0x190, $0x38;
	[tilespmem:$0x1A2C0] =	vst v63  }
.Ltmp2:
0x30: {  	s22 =	rddreg [dreg:$0x7];
	s23 =	simm.s32 $0x640;
	(pc) =	sbr.rel .LBB2_2-.Ltmp2, $4  }
0x31: {  	s25 =	simm.s32 $0x7D0;
	s15 =	smov.u32 s21;
	s16 =	smov.u32 s20  }
0x32: {  	[tilespmem:s23], [sflag:$0x2] =	stream.linear.gather [hbm4b:s22+s3], $0x190, $0x38;
	[tilespmem:$0x1A2C0] =	vst v63  }
0x33: {  	s18 =	smov.u32 s0;
	s17 =	smov.u32 s2;
	s22 =	simm.s32 $0x0  }
0x34: {  	[tilespmem:s25], [sflag:$0x2] =	stream.linear.gather [hbm4b:s12+s3], $0x190, $0x38;
	[tilespmem:$0x1A2C0] =	vst v63  }
.LBB2_3:
0x35: {  	s7 =	sadd.s32 $0xD, s23;
	s8 =	smul.u32 $0x19000, s23  }
0x36: {  	_ =	swait.ge [sflag:s7], $0x6400  }
0x37: {  	[sflag:s7] =	ssyncset.done $0x0;
	s8 =	sshrl.u32 s8, $0x2  }
0x38: {  	[sflag:s7] =	ssyncadd.s32 $0xFFFF9C00;
	s7 =	sadd.s32 $0x12C0, s8;
	s8 =	sadd.s32 $0x5, s23  }
0x39: {  	[tilespmem:s7], [sflag:s8] =	stream.indirect.gather [hbm4b:s4+s19], $0x40, s25, s19, $0xb8;
	[tilespmem:$0x1A2C0] =	vst v63  }
.LBB2_5:
0x3a: {  	s9 =	sadd.s32 $0xFFFFFFFF, s22  }
0x3b: {  	s9 =	sand.u32 $0x3, s9  }
0x3c: {  	s10 =	sadd.s32 $0x9, s9  }
0x3d: {  	_ =	swait.ge [sflag:s10], $0x6400  }
0x3e: {  	[sflag:s10] =	ssyncset.done $0x0  }
0x3f: {  	[sflag:s10] =	ssyncadd.s32 $0xFFFF9C00  }
0x40: {  	s11 =	smul.u32 $0x19000, s9;
	_ =	swait.ge [sflag:s10], $0x6400  }
0x41: {  	[sflag:s10] =	ssyncset.done $0x0  }
0x42: {  	[sflag:s10] =	ssyncadd.s32 $0xFFFF9C00;
	s10 =	sshrl.u32 s11, $0x2;
	s11 =	sand.u32 $0x1FFFFF80, s18  }
0x43: {  	s9 =	sadd.s32 $0xD, s9;
	s10 =	sadd.s32 $0x12C0, s10;
	s11 =	sadd.s32 s1, s11  }
0x44: {  	[hbm4b:s11+s3] =	stream.linear.scatter [tilespmem:s10], [sflag:s9], $0x6400, $0x38;
	[tilespmem:$0x1A2C0] =	vst v63  }
.LBB2_6:
0x45: {  	s22 =	sadd.s32 $0x1, s22  }
0x46: {  	_ =	swait.ge [sflag:s8], $0x6400;
	s9 =	sadd.s32 $0x190, s25;
	p0 =	sne.s32 s22, $0x40  }
.Ltmp3:
0x47: {  	s23 =	sadd.s32 $0x9, s23;
	[sflag:s8] =	ssyncset.done $0x0;
	(pc) =	sbr.rel @!p0 .LBB2_7-.Ltmp3, $4  }
0x48: {  	s25 =	sadd.s32 $0x320, s25;
	s15 =	sadd.s32 $0x32, s15;
	[sflag:s8] =	ssyncadd.s32 $0xFFFF9C00  }
0x49: {  	[tilespmem:s7], [sflag:s23] =	stream.indirect.gather.add.f32 [hbm:s5], $0x40, s9, s19, $0xb8;
	[tilespmem:$0x1A2C0] =	vst v63  }
0x4a: {  	s16 =	sadd.s32 $0x32, s16;
	s17 =	sadd.s32 $0x32, s17;
	s18 =	sadd.s32 $0xC80, s18  }
0x4b: {  	[tilespmem:s7], [sflag:s23] =	stream.indirect.gather.add.f32 [hbm:s6], $0x40, s25, s19, $0xb8;
	[tilespmem:$0x1A2C0] =	vst v63  }
.LBB2_2:
0x4c: {  	p0 =	sgt.u32 s22, $0x3D  }
0x4d: {  	s7 =	sadd.s32 @!p0 $0x2, s22  }
0x4e: {  	s7 =	sand.u32 @!p0 $0x3, s7  }
0x4f: {  	s8 =	smul.u32 @!p0 $0x12C0, s7;
	_ =	sdelay $0x1  }
0x50: {  	s25 =	simm.s32 @!p0 $0x0;
	s7 =	sadd.s32 @!p0 $0x1, s7;
	s8 =	sshrl.u32 @!p0 s8, $0x2  }
0x51: {  	[tilespmem:s8], [sflag:s7] =	stream.linear.gather @!p0 [hbm4b:s17+s25], $0x190, $0x38;
	[tilespmem:$0x1A2C0] =	vst v63  }
0x52: {  	s23 =	sadd.s32 @!p0 $0x190, s8  }
0x53: {  	[tilespmem:s23], [sflag:s7] =	stream.linear.gather @!p0 [hbm4b:s16+s25], $0x190, $0x38;
	[tilespmem:$0x1A2C0] =	vst v63  }
0x54: {  	s23 =	sand.u32 $0x3, s22  }
0x55: {  	s8 =	sadd.s32 @!p0 $0x320, s8;
	s11 =	sadd.s32 $0x1, s23  }
0x56: {  	[tilespmem:s8], [sflag:s7] =	stream.linear.gather @!p0 [hbm4b:s15+s25], $0x190, $0x38;
	[tilespmem:$0x1A2C0] =	vst v63  }
0x57: {  	_ =	swait.ge [sflag:s11], $0x190  }
0x58: {  	[sflag:s11] =	ssyncset.done $0x0  }
0x59: {  	[sflag:s11] =	ssyncadd.s32 $0xFFFFFE70  }
0x5a: {  	p0 =	slt.u32 s22, $0x4;
	_ =	swait.ge [sflag:s11], $0x190  }
.Ltmp4:
0x5b: {  	[sflag:s11] =	ssyncset.done $0x0;
	(pc) =	sbr.rel @!p0 .LBB2_3-.Ltmp4, $4  }
0x5c: {  	[sflag:s11] =	ssyncadd.s32 $0xFFFFFE70  }
0x5d: {  	s25 =	smul.u32 $0x12C0, s23;
	_ =	swait.ge [sflag:s11], $0x190  }
0x5e: {  	[sflag:s11] =	ssyncset.done $0x0  }
0x5f: {  	s25 =	sshrl.u32 s25, $0x2;
	[sflag:s11] =	ssyncadd.s32 $0xFFFFFE70  }
0x60: {  	s7 =	smul.u32 $0x19000, s23;
	p0 =	seq.s32 s22, $0x0  }
.Ltmp5:
0x61: {  	_ = 	snop;
	(pc) =	sbr.rel @!p0 .LBB2_5-.Ltmp5, $4  }
.Ltmp6:
0x62: {  	_ = 	snop;
	(pc) =	sbr.rel @p0 .LBB2_6-.Ltmp6, $4  }
0x63: {  	s7 =	sshrl.u32 s7, $0x2  }
0x64: {  	s8 =	sadd.s32 $0x5, s23;
	s7 =	sadd.s32 $0x12C0, s7  }
0x65: {  	[tilespmem:s7], [sflag:s8] =	stream.indirect.gather [hbm4b:s4+s19], $0x40, s25, s19, $0xb8;
	[tilespmem:$0x1A2C0] =	vst v63  }
0x66: {  	_ = 	snop  }
.LBB2_8:
0x67: {  	_ =	sfence.sel $0x180000  }
0x68: {  	[bflag:$0x0] =	sbarrier.arrive $0xFFFF  }
0x69: {  	_ =	strace $0x90000047  }
0x6a: {  	s0 =	stileid.u32;
	[bflag:$0x2] =	sbarrier.arrive $0xFFFF  }
0x6b: {  	p0 =	sne.s32 s0, $0x0;
	s0 =	rddreg [dreg:$0x2]  }
0x6c: {  	s0 =	sadd.s32 @!p0 $0x100000, s0  }
0x6d: {  	[sflag:s0] =	ssyncadd.tile.s32 @!p0 $0x1;
	_ =	shalt  }
.Lfunc_end2:
_tile_overlayer_lowered:
.L_overlay_start_2:
0x6e: {  	(tag) =	ssettag $0x2  }
0x6f: {  	s0 =	rddreg [dreg:$0x0];
	s2 =	stileid.u32  }
0x70: {  	s1 =	rddreg [dreg:$0x1];
	p0 =	sne.s32 s2, $0x0  }
0x71: {  	s3 =	rddreg [dreg:$0x2];
	[bflag:$0x3] =	sbarrier.arrive $0xFFFF;
	s2 =	simm.s32 @!p0 $0x1C11  }
0x72: {  	[timem:s3], [sflag:s2] =	dma.local @!p0 [hbm:s0], s1  }
0x73: {  	s0 =	simm.s32 @!p0 $0x11  }
0x74: {  	_ =	swait.ge @!p0 [sflag:s0], s1  }
0x75: {  	s1 =	ssub.s32 @!p0 $0x0, s1;
	[sflag:s0] =	ssyncset.done @!p0 $0x0  }
0x76: {  	[sflag:s0] =	ssyncadd.s32 @!p0 s1  }
0x77: {  	[bflag:$0x3] =	sbarrier.arrive $0xFFFF  }
0x78: {  	_ =	shalt  }

// kernel: sparse-core-data-format-call.cloned.1.call-start
scs
called_computation_lowered:
.L_overlay_start_0:
0x0: {  	s2 =	sld [smem:$0x3FD9]  }
0x1: {  	s3 =	sld [smem:$0x3FFE];
	_ =	sdelay $0x1  }
0x2: {  	s1 =	srdreg.scid  }
0x3: {  	s0 =	sand.u32 $0x1, s1  }
0x4: {  	s18 =	sshll.u32 s0, $0xA;
	s2 =	sadd.s32 s3, s2  }
0x5: {  	s2 =	sadd.s32 s2, s18  }
0x6: {  	[smem:$0x3FC2] =	sst s2  }
0x7: {  	_ = 	snop  }
0x8: {  	s2 =	sld [smem:$0x3FD0];
	(tm) =	ssettm $0x1  }
0x9: {  	s19 =	sld [smem:$0x3FFB];
	_ =	sdelay $0x3  }
0xa: {  	_ =	strace s19  }
0xb: {  	s3 =	sld [smem:$0x3FFC];
	_ =	sdelay $0x3  }
0xc: {  	_ =	strace s3  }
0xd: {  	s3 =	sld [smem:$0x3FFD];
	_ =	sdelay $0x3  }
0xe: {  	_ =	strace s3  }
0xf: {  	_ =	strace $0x8FFFFFFF  }
0x10: {  	s20 =	sld [smem:$0x3FDB];
	_ =	sdelay $0x1  }
0x11: {  	s4 =	simm.s32 $_scs_section_size  }
0x12: {  	s5 =	simm.s32 $_size__tile_overlayer_lowered;
	s6 =	simm.s32 $_tile_overlayer_lowered  }
0x13: {  	s23 =	simm.s32 $0x1BFF;
	s22 =	sshll.u32 s6, $0x1;
	s3 =	sadd.s32 s4, s20  }
0x14: {  	s7 =	simm.s32 $0x0;
	s21 =	sshll.u32 s5, $0x1;
	s5 =	sadd.s32 s22, s3  }
0x15: {  	[timem:s7], [sflag:s23] =	dma.local [hbm:s5], s21  }
0x16: {  	_ =	swait.ge [sflag:s23], s21  }
0x17: {  	s4 =	ssub.s32 $0x0, s21;
	[sflag:s23] =	ssyncset.done $0x0  }
0x18: {  	[sflag:s23] =	ssyncadd.s32 s4;
	_ =	sdelay $0x1  }
0x19: {  	s24 =	simm.s32 $0x1B8B  }
0x1a: {  	_ =	swait.ge [sflag:s24], $0x1  }
0x1b: {  	[sflag:s24] =	ssyncset.done $0x0  }
0x1c: {  	s26 =	simm.s32 $0x1B8E;
	s25 =	sld [smem:$0x3FFE];
	[sflag:s24] =	ssyncadd.s32 $0xFFFFFFFF  }
0x1d: {  	s27 =	simm.s32 $execute0_lowered;
	[smem:$0x3FD2] =	sst s26  }
0x1e: {  	s5 =	sshll.u32 s27, $0x1;
	_ =	strace $0x80000049;
	[dreg:$0x1] =	wrdreg $0xFFFFFFFF  }
0x1f: {  	s28 =	simm.s32 $_size_execute0_lowered;
	s3 =	sadd.s32 s3, s5;
	[dreg:$0x0] =	wrdreg $0x0  }
0x20: {  	s5 =	sshll.u32 s28, $0x1;
	[dreg:$0x2] =	wrdreg s3  }
0x21: {  	[dreg:$0x3] =	wrdreg s5  }
0x22: {  	[dreg:$0x4] =	wrdreg $0xC0  }
0x23: {  	_ =	task [dreg:s7], $0x5FFFF  }
0x24: {  	[dreg:$0x1] =	wrdreg $0xFFFFFFFF  }
0x25: {  	[dreg:$0x0] =	wrdreg $0x60  }
0x26: {  	[dreg:$0x2] =	wrdreg s25  }
0x27: {  	[dreg:$0x3] =	wrdreg s2  }
0x28: {  	[dreg:$0x4] =	wrdreg $0x9  }
0x29: {  	_ =	task.clear_ibuf [dreg:s7], $0x5FFFF;
	_ =	strace $0x90000049  }
0x2a: {  	s29 =	simm.s32 $0x9;
	_ =	strace $0x8000004B  }
0x2b: {  	_ =	swait.ge [sflag:s29], $0x1  }
0x2c: {  	[sflag:s29] =	ssyncadd.s32 $0xFFFFFFFF  }
0x2d: {  	_ =	strace $0x9000004B  }
0x2e: {  	_ =	sfence  }
0x2f: {  	s30 =	sld [smem:$0x0];
	_ =	sdelay $0x2  }
0x30: {  	s31 =	sshll.u32 s1, $0xD;
	s1 =	sshrl.u32 s1, $0x2  }
0x31: {  	s3 =	sand.u32 $0x4000, s31;
	s1 =	sadd.s32 s1, s30  }
0x32: {  	s0 =	sor.u32 s3, s0;
	s1 =	sshll.u32 s1, $0x11  }
0x33: {  	s0 =	sor.u32 s1, s0  }
0x34: {  	s0 =	sadd.s32 $0x8F2B, s0  }
0x35: {  	[sflag:s0] =	ssyncadd.remote.s32 $0x1  }
0x36: {  	_ =	sfence.sel $0xFFFF  }
0x37: {  	[dreg:$0x0] =	wrdreg $0xFFFFFFFF;
	(pc) =	sbr.abs _section_cstart, $3  }
0x38: {  	[dreg:$0x1] =	wrdreg $0xFFFFFFFF  }
0x39: {  	_ =	task.clear_ibuf [dreg:s7], $0x2FFFF;
	_ =	strace $0x9FFFFFFF  }
0x3a: {  	(tm) =	ssettm $0x7FFFFFFF  }
0x3b: {  	_ =	shalt  }
tec
execute0_lowered:
.L_overlay_start_1:
0x0: {  	(tag) =	ssettag $0x1  }
0x1: {  	s0 =	srdreg.scid  }
0x2: {  	s1 =	sshll.u32 s0, $0x4  }
0x3: {  	s0 =	stileid.u32;
	s1 =	sand.u32 $0x10, s1  }
0x4: {  	s1 =	sor.u32 s0, s1  }
0x5: {  	s6 =	rddreg [dreg:$0x0];
	s4 =	simm.s32 $0x1;
	s2 =	sshll.u32 s1, $0x7  }
0x6: {  	s7 =	simm.s32 $0x2;
	s12 =	simm.s32 $0x0;
	s1 =	ssub.s32 $0x1000, s2  }
0x7: {  	s8 =	simm.s32 $0x8000;
	s13 =	simm.s32 $0x0;
	s3 =	sand.u32 $0xF80, s1  }
0x8: {  	s9 =	simm.s32 $0x0;
	s5 =	sshrl.u32 s1, $0xC;
	p0 =	sne.s32 s3, $0x0  }
.Ltmp0:
0x9: {  	s1 =	rddreg [dreg:$0x2];
	s4 =	simm.s32 @!p0 $0x0;
	(pc) =	sbr.rel .LBB1_1-.Ltmp0, $4  }
0xa: {  	s11 =	simm.s32 $0x0;
	s3 =	rddreg [dreg:$0x1];
	s5 =	sadd.s32 s4, s5  }
0xb: {  	_ =	strace $0x8000004A;
	s4 =	simm.s32 $0x1;
	s5 =	smul.u32 $0xC8, s5  }
0xc: {  	s6 =	sadd.s32 $0xC00, s6;
	s10 =	smov.u32 s2;
	[sflag:s4] =	ssyncpa.u1 $0x0  }
0xd: {  	p0 =	por $0x0, $0x0;
	[sflag:s7] =	ssyncpa.u1 $0x0;
	s7 =	sor.u32 $0x1, s5  }
.LBB1_4:
0xe: {  	s16 =	sshll.u32 s13, $0x3;
	s17 =	sand.u32 $0x78, s13  }
0xf: {  	s30 =	sand.u32 $0x7E00, s13;
	s12 =	sshll.u32 s12, $0xF;
	s16 =	sand.u32 $0xC00, s16  }
0x10: {  	[tilespmem:s15+$0x810 ss:$0x81] =	vst.msk $0xffff, v2;
	s31 =	sand.u32 $0x7, s13;
	s16 =	sor.u32 s17, s16;
	s17 =	sadd.s32 s3, s30  }
0x11: {  	[tilespmem:s15+$0x1020 ss:$0x81] =	vst.msk $0xffff, v0;
	s13 =	sshll.u32 s31, $0x12;
	s12 =	sadd.s32 s12, s17;
	s16 =	sshrl.u32 s16, $0x3  }
0x12: {  	[tilespmem:s15+$0x0 ss:$0x81] =	vst.msk $0xffff, v1;
	s13 =	sor.u32 $0x400, s13;
	s12 =	sadd.s32 s16, s12  }
0x13: {  	[hbm4b:s12+s13] =	stream.strided.scatter [tilespmem:s14], [sflag:$0x2], $0x2000, s8, s13, $0x20;
	[tilespmem:$0x8080] =	vst v63  }
.LBB1_5:
0x14: {  	s14 =	sadd.s32 $0x1, s9  }
0x15: {  	s12 =	sadd.s32 $0x1000, s10;
	s16 =	smov.u32 s10;
	p2 =	sgt.s32 s14, $0xC7  }
0x16: {  	s16 =	smov.u32 @p2 s12  }
0x17: {  	s14 =	simm.s32 @p2 $0x0;
	p2 =	sgt.s32 s16, $0xFFF  }
0x18: {  	s16 =	smov.u32 @p2 s2;
	p2 =	sne.s32 s11, s7  }
.Ltmp1:
0x19: {  	p1 =	slt.u32 s11, $0x2;
	(pc) =	sbr.rel @!p2 .LBB1_6-.Ltmp1, $4  }
0x1a: {  	s15 =	simm.s32 @!p1 $0x2  }
0x1b: {  	s13 =	smov.u32 s10;
	p0 =	por !p0, !p0;
	_ =	swait.ge @!p1 [sflag:s15], $0x2000  }
0x1c: {  	s12 =	smov.u32 s9;
	[sflag:s15] =	ssyncset.done @!p1 $0x0;
	s9 =	smov.u32 s14  }
0x1d: {  	s11 =	sadd.s32 $0x1, s11;
	[sflag:s15] =	ssyncadd.s32 @!p1 $0xFFFFE000;
	s10 =	smov.u32 s16  }
.LBB1_1:
0x1e: {  	p1 =	sge.u32 s11, s5  }
0x1f: {  	s14 =	sand.u32 @!p1 $0x1FFFFFF, s9  }
0x20: {  	s15 =	smulhi.u32 @!p1 $0x147AE15, s14;
	_ =	sdelay $0x1  }
0x21: {  	s15 =	smul.u32 @!p1 $0xC8, s15  }
0x22: {  	s16 =	sxor.u32 @!p1 $0xFFFFFFFF, s11;
	s17 =	smul.u32 @!p1 $0xC80, s10  }
0x23: {  	s31 =	sadd.s32 $0xFFFFFFFF, s11;
	s16 =	sshll.u32 @!p1 s16, $0xD;
	s14 =	ssub.s32 @!p1 s14, s15  }
0x24: {  	s15 =	sand.u32 @!p1 $0x2000, s16;
	s16 =	sadd.s32 @!p1 s6, s17;
	s14 =	sshll.u32 @!p1 s14, $0x4  }
0x25: {  	s17 =	simm.s32 @!p1 $0x6400;
	s14 =	sadd.s32 @!p1 s14, s16;
	s16 =	simm.s32 @!p1 $0x40  }
0x26: {  	[tilespmem:s15], [sflag:$0x1] =	stream.strided.gather @!p1 [hbm4b:s14+s16], $0x2000, s17, s16, $0x38;
	[tilespmem:$0x8080] =	vst v63  }
0x27: {  	p1 =	sge.u32 s31, s5  }
.Ltmp2:
0x28: {  	_ = 	snop;
	(pc) =	sbr.rel @p1 .LBB1_5-.Ltmp2, $1  }
0x29: {  	_ =	sdelay $0x3  }
0x2a: {  	s14 =	simm.s32 $0x1  }
0x2b: {  	_ =	swait.ge [sflag:s4], $0x2000;
	s14 =	simm.s32 @!p0 $0x0  }
0x2c: {  	[sflag:s4] =	ssyncset.done $0x0;
	s15 =	sshll.u32 s14, $0xD  }
0x2d: {  	[sflag:s4] =	ssyncadd.s32 $0xFFFFE000;
	s18 =	sor.u32 $0x20, s15  }
0x2e: {  	s14 =	smul.u32 $0x8100, s14;
	v3 =	vld [tilespmem:s18+$0x10]  }
0x2f: {  	s30 =	sand.u32 $0x1, s11;
	v2 =	vld [tilespmem:s18+$0xFFFFFFF0]  }
0x30: {  	s15 =	smul.u32 $0x8100, s30;
	s14 =	sshrl.u32 s14, $0x2;
	v0 =	vld [tilespmem:s18+$0x0]  }
0x31: {  	v1 =	vld [tilespmem:s18+$0xFFFFFFE0];
	s16 =	sor.u32 $0x4000, s14  }
0x32: {  	s31 =	sshrl.u32 s15, $0x2;
	s15 =	sadd.s32 $0x0, s16  }
0x33: {  	s17 =	simm.s32 $0x4;
	s18 =	sadd.s32 $0x40, s18;
	s14 =	sor.u32 $0x4000, s31;
	[tilespmem:s15+$0x1830 ss:$0x81] =	vst.msk $0xffff, v3  }
.LBB1_3:
0x34: {  	v3 =	vld [tilespmem:s18+$0x10];
	p1 =	sne.s32 s17, $0x1FC;
	[tilespmem:s15+$0x810 ss:$0x81] =	vst.msk $0xffff, v2;
	s19 =	smov.u32 s17;
	s17 =	sadd.s32 $0x4, s17  }
.Ltmp3:
0x35: {  	v2 =	vld [tilespmem:s18+$0xFFFFFFF0];
	[tilespmem:s15+$0x1020 ss:$0x81] =	vst.msk $0xffff, v0;
	(pc) =	sbr.rel @p1 .LBB1_3-.Ltmp3, $4  }
0x36: {  	v0 =	vld [tilespmem:s18+$0x0];
	[tilespmem:s15+$0x0 ss:$0x81] =	vst.msk $0xffff, v1  }
0x37: {  	s15 =	sshra.s32 s19, $0x2;
	v1 =	vld [tilespmem:s18+$0xFFFFFFE0]  }
0x38: {  	s15 =	sadd.s32 s15, s16  }
0x39: {  	s18 =	sadd.s32 $0x40, s18;
	[tilespmem:s15+$0x1830 ss:$0x81] =	vst.msk $0xffff, v3  }
.Ltmp4:
0x3a: {  	_ = 	snop;
	(pc) =	sbr.rel .LBB1_4-.Ltmp4, $1  }
0x3b: {  	_ =	sdelay $0x3  }
.LBB1_6:
0x3c: {  	_ =	sfence.sel $0x180000  }
0x3d: {  	s2 =	simm.s32 $0x1;
	[bflag:$0x0] =	sbarrier.arrive $0xFFFF  }
0x3e: {  	s31 =	simm.s32 $0x2;
	[sflag:s2] =	ssyncpa.u1 $0x1  }
0x3f: {  	[sflag:s31] =	ssyncpa.u1 $0x1  }
0x40: {  	p0 =	sne.s32 s0, $0x0;
	_ =	strace $0x9000004A  }
0x41: {  	s0 =	sadd.s32 @!p0 $0x100000, s1;
	[bflag:$0x2] =	sbarrier.arrive $0xFFFF  }
0x42: {  	[sflag:s0] =	ssyncadd.tile.s32 @!p0 $0x1;
	_ =	shalt  }
.Lfunc_end1:
_tile_overlayer_lowered:
.L_overlay_start_2:
0x43: {  	(tag) =	ssettag $0x2  }
0x44: {  	s0 =	rddreg [dreg:$0x0];
	s2 =	stileid.u32  }
0x45: {  	s1 =	rddreg [dreg:$0x1];
	p0 =	sne.s32 s2, $0x0  }
0x46: {  	s3 =	rddreg [dreg:$0x2];
	[bflag:$0x3] =	sbarrier.arrive $0xFFFF;
	s2 =	simm.s32 @!p0 $0x1C01  }
0x47: {  	[timem:s3], [sflag:s2] =	dma.local @!p0 [hbm:s0], s1  }
0x48: {  	s0 =	simm.s32 @!p0 $0x1  }
0x49: {  	_ =	swait.ge @!p0 [sflag:s0], s1  }
0x4a: {  	s1 =	ssub.s32 @!p0 $0x0, s1;
	[sflag:s0] =	ssyncset.done @!p0 $0x0  }
0x4b: {  	[sflag:s0] =	ssyncadd.s32 @!p0 s1  }
0x4c: {  	[bflag:$0x3] =	sbarrier.arrive $0xFFFF  }
0x4d: {  	_ =	shalt  }

</sc_bundles>
